<compile_context>
chip_gen: v7x
topology: tpu7x:2x2x1
jax: 0.10.2.dev20260603
libtpu: 0.0.44.dev20260713+nightly
codegen_flags: <defaults>
</compile_context>

<pallas_src>
import functools

import jax
import jax.numpy as jnp
from jax import lax
from jax.experimental import pallas as pl
from jax.experimental.pallas import tpu as pltpu
from jax.experimental.pallas import tpu_sc as plsc

D = 64
B_TOTAL = 4096 * 200
SCALE = 8.0

NC = 2
NS = 16
NW = NC * NS
W = B_TOTAL // NW
C = 128
NCHUNK = W // C
NBUF = 4
LANES = 16
D_VECS = D // LANES


def _emb_kernel(x_hbm, table_hbm, out_hbm, idx_v, *bufs_and_sems):
  rows = bufs_and_sems[:NBUF]
  gsem = bufs_and_sems[NBUF:2 * NBUF]
  ssem = bufs_and_sems[2 * NBUF:3 * NBUF]

  wid = lax.axis_index("s") * NC + lax.axis_index("c")
  base = wid * W

  pltpu.sync_copy(x_hbm.at[pl.ds(base, W)], idx_v)

  def idx_slice(j):
    return idx_v.at[pl.ds(j * C, C)]

  def start_gather(j, b):
    pltpu.async_copy(table_hbm.at[idx_slice(j)], rows[b], gsem[b])

  def wait_gather(j, b):
    pltpu.make_async_copy(table_hbm.at[idx_slice(j)], rows[b], gsem[b]).wait()

  def start_store(j, b):
    pltpu.async_copy(rows[b], out_hbm.at[pl.ds(base + j * C, C)], ssem[b])

  def wait_store(j, b):
    pltpu.make_async_copy(
        rows[b], out_hbm.at[pl.ds(base + j * C, C)], ssem[b]).wait()

  for b in range(NBUF):
    start_gather(b, b)

  def outer(i, carry):
    j0 = i * NBUF
    for b in range(NBUF):
      j = j0 + b
      wait_gather(j, b)
      buf = rows[b]

      def scale_row(r, c2):
        for l in range(D_VECS):
          sl = (r, pl.ds(l * LANES, LANES))
          buf[sl] = buf[sl] * SCALE
        return c2

      lax.fori_loop(0, C, scale_row, 0)
      start_store(j, b)
      jn = j + NBUF

      @pl.when(jn < NCHUNK)
      def _():
        wait_store(j, b)
        start_gather(jn, b)

    return carry

  lax.fori_loop(0, NCHUNK // NBUF, outer, 0)

  for b in range(NBUF):
    wait_store(NCHUNK - NBUF + b, b)


@jax.jit
def _run(x_flat, table):
  mesh = plsc.VectorSubcoreMesh(core_axis_name="c", subcore_axis_name="s")
  scratch = [pltpu.VMEM((W,), jnp.int32)]
  scratch += [pltpu.VMEM((C, D), jnp.float32) for _ in range(NBUF)]
  scratch += [pltpu.SemaphoreType.DMA for _ in range(2 * NBUF)]
  fn = functools.partial(
      pl.kernel,
      mesh=mesh,
      out_type=jax.ShapeDtypeStruct((B_TOTAL, D), jnp.float32),
      scratch_types=scratch,
      compiler_params=pltpu.CompilerParams(use_tc_tiling_on_sc=False),
  )(_emb_kernel)
  return fn(x_flat, table)


def kernel(x, table):
  x_flat = x.reshape(-1).astype(jnp.int32)
  out = _run(x_flat, table)
  return out.reshape(x.shape + (D,))

# --- scband reference (transcript-rebuilt; emitter-appended) ---
"""Pipeline reference for scband-embedding-54511724921547 (READ-ONLY COPY).

The authoritative reference and input builder live on the scoring server;
editing this copy changes nothing except your own understanding.
"""

import jax, jax.numpy as jnp
import numpy as np
import math

VOCAB = 1000000
D_MODEL = 64

def setup_inputs(seed: int = 0) -> dict:
    key = jax.random.key(seed)
    k1, k2 = jax.random.split(key)
    x = jax.random.randint(k1, (4096, 200), 0, VOCAB, dtype=jnp.int64 if jax.config.jax_enable_x64 else jnp.int32)
    table = jax.random.normal(k2, (VOCAB, D_MODEL), dtype=jnp.float32)
    # padding_idx=0: row 0 is zero
    table = table.at[0].set(0.0)
    return {"x": x, "table": table}

def reference(x, table):
    # emb(x) * sqrt(d_model); padding_idx row is zero in table
    emb = jnp.take(table, x, axis=0)
    return emb * jnp.sqrt(jnp.float32(D_MODEL))

if __name__ == "__main__":
    import jax
    _d = setup_inputs()
    print(jax.jit(kernel)(*tuple(_d.values())))

</pallas_src>

<mosaic_0001>
#map = affine_map<(d0, d1) -> (0)>
#map1 = affine_map<(d0, d1) -> (0, 0)>
module attributes {stable_mosaic.version = 14 : i64} {
  func.func @_emb_kernel(%arg0: i32, %arg1: i32, %arg2: memref<819200xi32, #tpu.memory_space<hbm>>, %arg3: memref<1000000x64xf32, #tpu.memory_space<hbm>>, %arg4: memref<819200x64xf32, #tpu.memory_space<hbm>>, %arg5: memref<25600xi32, #tpu.memory_space<vmem>>, %arg6: memref<128x64xf32, #tpu.memory_space<vmem>>, %arg7: memref<128x64xf32, #tpu.memory_space<vmem>>, %arg8: memref<128x64xf32, #tpu.memory_space<vmem>>, %arg9: memref<128x64xf32, #tpu.memory_space<vmem>>, %arg10: memref<!tpu.dma_semaphore, #tpu.memory_space<semaphore_mem>>, %arg11: memref<!tpu.dma_semaphore, #tpu.memory_space<semaphore_mem>>, %arg12: memref<!tpu.dma_semaphore, #tpu.memory_space<semaphore_mem>>, %arg13: memref<!tpu.dma_semaphore, #tpu.memory_space<semaphore_mem>>, %arg14: memref<!tpu.dma_semaphore, #tpu.memory_space<semaphore_mem>>, %arg15: memref<!tpu.dma_semaphore, #tpu.memory_space<semaphore_mem>>, %arg16: memref<!tpu.dma_semaphore, #tpu.memory_space<semaphore_mem>>, %arg17: memref<!tpu.dma_semaphore, #tpu.memory_space<semaphore_mem>>) attributes {dimension_semantics = [#tpu.dimension_semantics<core_parallel>, #tpu.dimension_semantics<subcore_parallel>], iteration_bounds = array<i64: 2, 16>, scalar_prefetch = 0 : i64, scratch_operands = 13 : i64, tpu.core_type = #tpu.core_type<sc_vector_subcore>, window_params = [{transform_indices = #map}, {transform_indices = #map1}, {transform_indices = #map1}]} {
    %mul3A = arith.constant 2 : i32
    %mul3A_0 = arith.muli %arg1, %mul3A : i32
    %add3A = arith.addi %mul3A_0, %arg0 : i32
    %mul3A_1 = arith.constant 25600 : i32
    %mul3A_2 = arith.muli %add3A, %mul3A_1 : i32
    "tpu.region"() ({
      %run_scoped3A = tpu.sem_alloc : memref<!tpu.dma_semaphore, #tpu.memory_space<semaphore_mem>>
      %dma_start3A_50 = tpu.memref_slice %arg2[%mul3A_2] : memref<819200xi32, #tpu.memory_space<hbm>> -> memref<25600xi32, #tpu.memory_space<hbm>>
      %dma_start3A_51 = tpu.memref_slice %arg2[%mul3A_2] : memref<819200xi32, #tpu.memory_space<hbm>> -> memref<25600xi32, #tpu.memory_space<hbm>>
      tpu.enqueue_dma source(%dma_start3A_51 : memref<25600xi32, #tpu.memory_space<hbm>>) target(%arg5 : memref<25600xi32, #tpu.memory_space<vmem>>) target_semaphore(%run_scoped3A : memref<!tpu.dma_semaphore, #tpu.memory_space<semaphore_mem>>)
      %dma_wait3A_52 = tpu.memref_slice %arg2[%mul3A_2] : memref<819200xi32, #tpu.memory_space<hbm>> -> memref<25600xi32, #tpu.memory_space<hbm>>
      %dma_wait3A_53 = tpu.memref_slice %arg2[%mul3A_2] : memref<819200xi32, #tpu.memory_space<hbm>> -> memref<25600xi32, #tpu.memory_space<hbm>>
      tpu.wait_dma2 semaphore(%run_scoped3A : memref<!tpu.dma_semaphore, #tpu.memory_space<semaphore_mem>>) src(%dma_wait3A_53 : memref<25600xi32, #tpu.memory_space<hbm>>) dst(%arg5 : memref<25600xi32, #tpu.memory_space<vmem>>)
      tpu.yield
    }) : () -> ()
    %dma_start3A = arith.constant 0 : i32
    %dma_start3A_3 = tpu.memref_slice %arg5[%dma_start3A] : memref<25600xi32, #tpu.memory_space<vmem>> -> memref<128xi32, #tpu.memory_space<vmem>>
    %dma_start3A_4 = arith.constant 0 : i32
    %dma_start3A_5 = arith.constant 0 : i32
    %dma_start3A_6 = tpu.memref_slice %arg3[%dma_start3A_4, %dma_start3A_5] : memref<1000000x64xf32, #tpu.memory_space<hbm>> -> memref<1000000x64xf32, #tpu.memory_space<hbm>>
    tpu.enqueue_indirect_dma source(%dma_start3A_6 : memref<1000000x64xf32, #tpu.memory_space<hbm>>) target(%arg6 : memref<128x64xf32, #tpu.memory_space<vmem>>) offsets(%dma_start3A_3 : memref<128xi32, #tpu.memory_space<vmem>>) semaphore(%arg10 : memref<!tpu.dma_semaphore, #tpu.memory_space<semaphore_mem>>)
    %dma_start3A_7 = arith.constant 128 : i32
    %dma_start3A_8 = tpu.memref_slice %arg5[%dma_start3A_7] : memref<25600xi32, #tpu.memory_space<vmem>> -> memref<128xi32, #tpu.memory_space<vmem>>
    %dma_start3A_9 = arith.constant 0 : i32
    %dma_start3A_10 = arith.constant 0 : i32
    %dma_start3A_11 = tpu.memref_slice %arg3[%dma_start3A_9, %dma_start3A_10] : memref<1000000x64xf32, #tpu.memory_space<hbm>> -> memref<1000000x64xf32, #tpu.memory_space<hbm>>
    tpu.enqueue_indirect_dma source(%dma_start3A_11 : memref<1000000x64xf32, #tpu.memory_space<hbm>>) target(%arg7 : memref<128x64xf32, #tpu.memory_space<vmem>>) offsets(%dma_start3A_8 : memref<128xi32, #tpu.memory_space<vmem>>) semaphore(%arg11 : memref<!tpu.dma_semaphore, #tpu.memory_space<semaphore_mem>>)
    %dma_start3A_12 = arith.constant 256 : i32
    %dma_start3A_13 = tpu.memref_slice %arg5[%dma_start3A_12] : memref<25600xi32, #tpu.memory_space<vmem>> -> memref<128xi32, #tpu.memory_space<vmem>>
    %dma_start3A_14 = arith.constant 0 : i32
    %dma_start3A_15 = arith.constant 0 : i32
    %dma_start3A_16 = tpu.memref_slice %arg3[%dma_start3A_14, %dma_start3A_15] : memref<1000000x64xf32, #tpu.memory_space<hbm>> -> memref<1000000x64xf32, #tpu.memory_space<hbm>>
    tpu.enqueue_indirect_dma source(%dma_start3A_16 : memref<1000000x64xf32, #tpu.memory_space<hbm>>) target(%arg8 : memref<128x64xf32, #tpu.memory_space<vmem>>) offsets(%dma_start3A_13 : memref<128xi32, #tpu.memory_space<vmem>>) semaphore(%arg12 : memref<!tpu.dma_semaphore, #tpu.memory_space<semaphore_mem>>)
    %dma_start3A_17 = arith.constant 384 : i32
    %dma_start3A_18 = tpu.memref_slice %arg5[%dma_start3A_17] : memref<25600xi32, #tpu.memory_space<vmem>> -> memref<128xi32, #tpu.memory_space<vmem>>
    %dma_start3A_19 = arith.constant 0 : i32
    %dma_start3A_20 = arith.constant 0 : i32
    %dma_start3A_21 = tpu.memref_slice %arg3[%dma_start3A_19, %dma_start3A_20] : memref<1000000x64xf32, #tpu.memory_space<hbm>> -> memref<1000000x64xf32, #tpu.memory_space<hbm>>
    tpu.enqueue_indirect_dma source(%dma_start3A_21 : memref<1000000x64xf32, #tpu.memory_space<hbm>>) target(%arg9 : memref<128x64xf32, #tpu.memory_space<vmem>>) offsets(%dma_start3A_18 : memref<128xi32, #tpu.memory_space<vmem>>) semaphore(%arg13 : memref<!tpu.dma_semaphore, #tpu.memory_space<semaphore_mem>>)
    %scan3A = arith.constant 0 : i32
    %scan3A_22 = arith.constant 0 : i32
    %scan3A_23 = arith.constant 50 : i32
    %scan3A_24 = arith.addi %scan3A_22, %scan3A_23 : i32
    %scan3A_25 = arith.constant 1 : i32
    scf.for %scan3A_50 = %scan3A_22 to %scan3A_24 step %scan3A_25  : i32 {
      %mul3A_51 = arith.constant 4 : i32
      %mul3A_52 = arith.muli %scan3A_50, %mul3A_51 : i32
      %add3A_53 = arith.constant 0 : i32
      %add3A_54 = arith.addi %mul3A_52, %add3A_53 : i32
      %mul3A_55 = arith.constant 128 : i32
      %mul3A_56 = arith.muli %add3A_54, %mul3A_55 : i32
      %dma_wait3A_57 = tpu.memref_slice %arg5[%mul3A_56] : memref<25600xi32, #tpu.memory_space<vmem>> -> memref<128xi32, #tpu.memory_space<vmem>>
      %dma_wait3A_58 = arith.constant 0 : i32
      %dma_wait3A_59 = arith.constant 0 : i32
      %dma_wait3A_60 = tpu.memref_slice %arg3[%dma_wait3A_58, %dma_wait3A_59] : memref<1000000x64xf32, #tpu.memory_space<hbm>> -> memref<1000000x64xf32, #tpu.memory_space<hbm>>
      tpu.wait_indirect_dma semaphore(%arg10 : memref<!tpu.dma_semaphore, #tpu.memory_space<semaphore_mem>>) src(%dma_wait3A_60 : memref<1000000x64xf32, #tpu.memory_space<hbm>>) dst(%arg6 : memref<128x64xf32, #tpu.memory_space<vmem>>)
      %scan3A_61 = arith.constant 0 : i32
      %scan3A_62 = arith.constant 0 : i32
      %scan3A_63 = arith.constant 128 : i32
      %scan3A_64 = arith.addi %scan3A_62, %scan3A_63 : i32
      %scan3A_65 = arith.constant 1 : i32
      scf.for %scan3A_162 = %scan3A_62 to %scan3A_64 step %scan3A_65  : i32 {
        %get3A = arith.index_cast %scan3A_162 : i32 to index
        %get3A_163 = arith.constant 0 : index
        %get3A_164 = tpu.vector_load %arg6[%get3A, %get3A_163] {strides = array<i32>} : memref<128x64xf32, #tpu.memory_space<vmem>>, vector<1x16xf32>,
        %get3A_165 = vector.shape_cast %get3A_164 : vector<1x16xf32> to vector<16xf32>
        %mul3A_166 = arith.constant 8.000000e+00 : f32
        %mul3A_167 = vector.broadcast %mul3A_166 : f32 to vector<16xf32>
        %mul3A_168 = arith.mulf %get3A_165, %mul3A_167 : vector<16xf32>
        %swap3A = arith.index_cast %scan3A_162 : i32 to index
        %swap3A_169 = arith.constant 0 : index
        %swap3A_170 = tpu.vector_load %arg6[%swap3A, %swap3A_169] {strides = array<i32>} : memref<128x64xf32, #tpu.memory_space<vmem>>, vector<1x16xf32>,
        %swap3A_171 = vector.shape_cast %swap3A_170 : vector<1x16xf32> to vector<16xf32>
        %swap3A_172 = vector.shape_cast %mul3A_168 : vector<16xf32> to vector<1x16xf32>
        tpu.vector_store %arg6[%swap3A, %swap3A_169], %swap3A_172 {strides = array<i32>} : memref<128x64xf32, #tpu.memory_space<vmem>>, vector<1x16xf32>,
        %get3A_173 = arith.index_cast %scan3A_162 : i32 to index
        %get3A_174 = arith.constant 16 : index
        %get3A_175 = tpu.vector_load %arg6[%get3A_173, %get3A_174] {strides = array<i32>} : memref<128x64xf32, #tpu.memory_space<vmem>>, vector<1x16xf32>,
        %get3A_176 = vector.shape_cast %get3A_175 : vector<1x16xf32> to vector<16xf32>
        %mul3A_177 = arith.constant 8.000000e+00 : f32
        %mul3A_178 = vector.broadcast %mul3A_177 : f32 to vector<16xf32>
        %mul3A_179 = arith.mulf %get3A_176, %mul3A_178 : vector<16xf32>
        %swap3A_180 = arith.index_cast %scan3A_162 : i32 to index
        %swap3A_181 = arith.constant 16 : index
        %swap3A_182 = tpu.vector_load %arg6[%swap3A_180, %swap3A_181] {strides = array<i32>} : memref<128x64xf32, #tpu.memory_space<vmem>>, vector<1x16xf32>,
        %swap3A_183 = vector.shape_cast %swap3A_182 : vector<1x16xf32> to vector<16xf32>
        %swap3A_184 = vector.shape_cast %mul3A_179 : vector<16xf32> to vector<1x16xf32>
        tpu.vector_store %arg6[%swap3A_180, %swap3A_181], %swap3A_184 {strides = array<i32>} : memref<128x64xf32, #tpu.memory_space<vmem>>, vector<1x16xf32>,
        %get3A_185 = arith.index_cast %scan3A_162 : i32 to index
        %get3A_186 = arith.constant 32 : index
        %get3A_187 = tpu.vector_load %arg6[%get3A_185, %get3A_186] {strides = array<i32>} : memref<128x64xf32, #tpu.memory_space<vmem>>, vector<1x16xf32>,
        %get3A_188 = vector.shape_cast %get3A_187 : vector<1x16xf32> to vector<16xf32>
        %mul3A_189 = arith.constant 8.000000e+00 : f32
        %mul3A_190 = vector.broadcast %mul3A_189 : f32 to vector<16xf32>
        %mul3A_191 = arith.mulf %get3A_188, %mul3A_190 : vector<16xf32>
        %swap3A_192 = arith.index_cast %scan3A_162 : i32 to index
        %swap3A_193 = arith.constant 32 : index
        %swap3A_194 = tpu.vector_load %arg6[%swap3A_192, %swap3A_193] {strides = array<i32>} : memref<128x64xf32, #tpu.memory_space<vmem>>, vector<1x16xf32>,
        %swap3A_195 = vector.shape_cast %swap3A_194 : vector<1x16xf32> to vector<16xf32>
        %swap3A_196 = vector.shape_cast %mul3A_191 : vector<16xf32> to vector<1x16xf32>
        tpu.vector_store %arg6[%swap3A_192, %swap3A_193], %swap3A_196 {strides = array<i32>} : memref<128x64xf32, #tpu.memory_space<vmem>>, vector<1x16xf32>,
        %get3A_197 = arith.index_cast %scan3A_162 : i32 to index
        %get3A_198 = arith.constant 48 : index
        %get3A_199 = tpu.vector_load %arg6[%get3A_197, %get3A_198] {strides = array<i32>} : memref<128x64xf32, #tpu.memory_space<vmem>>, vector<1x16xf32>,
        %get3A_200 = vector.shape_cast %get3A_199 : vector<1x16xf32> to vector<16xf32>
        %mul3A_201 = arith.constant 8.000000e+00 : f32
        %mul3A_202 = vector.broadcast %mul3A_201 : f32 to vector<16xf32>
        %mul3A_203 = arith.mulf %get3A_200, %mul3A_202 : vector<16xf32>
        %swap3A_204 = arith.index_cast %scan3A_162 : i32 to index
        %swap3A_205 = arith.constant 48 : index
        %swap3A_206 = tpu.vector_load %arg6[%swap3A_204, %swap3A_205] {strides = array<i32>} : memref<128x64xf32, #tpu.memory_space<vmem>>, vector<1x16xf32>,
        %swap3A_207 = vector.shape_cast %swap3A_206 : vector<1x16xf32> to vector<16xf32>
        %swap3A_208 = vector.shape_cast %mul3A_203 : vector<16xf32> to vector<1x16xf32>
        tpu.vector_store %arg6[%swap3A_204, %swap3A_205], %swap3A_208 {strides = array<i32>} : memref<128x64xf32, #tpu.memory_space<vmem>>, vector<1x16xf32>,
      }
      %scan3A_66 = arith.constant 128 : i32
      %mul3A_67 = arith.constant 128 : i32
      %mul3A_68 = arith.muli %add3A_54, %mul3A_67 : i32
      %add3A_69 = arith.addi %mul3A_2, %mul3A_68 : i32
      %dma_start3A_70 = arith.constant 0 : i32
      %dma_start3A_71 = tpu.memref_slice %arg4[%add3A_69, %dma_start3A_70] : memref<819200x64xf32, #tpu.memory_space<hbm>> -> memref<128x64xf32, #tpu.memory_space<hbm>>
      %dma_start3A_72 = arith.constant 0 : i32
      %dma_start3A_73 = tpu.memref_slice %arg4[%add3A_69, %dma_start3A_72] : memref<819200x64xf32, #tpu.memory_space<hbm>> -> memref<128x64xf32, #tpu.memory_space<hbm>>
      tpu.enqueue_dma source(%arg6 : memref<128x64xf32, #tpu.memory_space<vmem>>) target(%dma_start3A_73 : memref<128x64xf32, #tpu.memory_space<hbm>>) target_semaphore(%arg14 : memref<!tpu.dma_semaphore, #tpu.memory_space<semaphore_mem>>)
      %add3A_74 = arith.constant 4 : i32
      %add3A_75 = arith.addi %add3A_54, %add3A_74 : i32
      %lt3A = arith.constant 200 : i32
      %lt3A_76 = arith.cmpi slt, %add3A_75, %lt3A : i32
      %convert_element_type3A = arith.extui %lt3A_76 : i1 to i32
      %cond3A = arith.constant 0 : i32
      %cond3A_77 = arith.cmpi ne, %convert_element_type3A, %cond3A : i32
      scf.if %cond3A_77 {
        %mul3A_162 = arith.constant 128 : i32
        %mul3A_163 = arith.muli %add3A_54, %mul3A_162 : i32
        %add3A_164 = arith.addi %mul3A_2, %mul3A_163 : i32
        %dma_wait3A_165 = arith.constant 0 : i32
        %dma_wait3A_166 = tpu.memref_slice %arg4[%add3A_164, %dma_wait3A_165] : memref<819200x64xf32, #tpu.memory_space<hbm>> -> memref<128x64xf32, #tpu.memory_space<hbm>>
        %dma_wait3A_167 = arith.constant 0 : i32
        %dma_wait3A_168 = tpu.memref_slice %arg4[%add3A_164, %dma_wait3A_167] : memref<819200x64xf32, #tpu.memory_space<hbm>> -> memref<128x64xf32, #tpu.memory_space<hbm>>
        tpu.wait_dma2 semaphore(%arg14 : memref<!tpu.dma_semaphore, #tpu.memory_space<semaphore_mem>>) src(%arg6 : memref<128x64xf32, #tpu.memory_space<vmem>>) dst(%dma_wait3A_168 : memref<128x64xf32, #tpu.memory_space<hbm>>)
        %mul3A_169 = arith.constant 128 : i32
        %mul3A_170 = arith.muli %add3A_75, %mul3A_169 : i32
        %dma_start3A_171 = tpu.memref_slice %arg5[%mul3A_170] : memref<25600xi32, #tpu.memory_space<vmem>> -> memref<128xi32, #tpu.memory_space<vmem>>
        %dma_start3A_172 = arith.constant 0 : i32
        %dma_start3A_173 = arith.constant 0 : i32
        %dma_start3A_174 = tpu.memref_slice %arg3[%dma_start3A_172, %dma_start3A_173] : memref<1000000x64xf32, #tpu.memory_space<hbm>> -> memref<1000000x64xf32, #tpu.memory_space<hbm>>
        tpu.enqueue_indirect_dma source(%dma_start3A_174 : memref<1000000x64xf32, #tpu.memory_space<hbm>>) target(%arg6 : memref<128x64xf32, #tpu.memory_space<vmem>>) offsets(%dma_start3A_171 : memref<128xi32, #tpu.memory_space<vmem>>) semaphore(%arg10 : memref<!tpu.dma_semaphore, #tpu.memory_space<semaphore_mem>>)
      } else {
      }
      %add3A_78 = arith.constant 1 : i32
      %add3A_79 = arith.addi %mul3A_52, %add3A_78 : i32
      %mul3A_80 = arith.constant 128 : i32
      %mul3A_81 = arith.muli %add3A_79, %mul3A_80 : i32
      %dma_wait3A_82 = tpu.memref_slice %arg5[%mul3A_81] : memref<25600xi32, #tpu.memory_space<vmem>> -> memref<128xi32, #tpu.memory_space<vmem>>
      %dma_wait3A_83 = arith.constant 0 : i32
      %dma_wait3A_84 = arith.constant 0 : i32
      %dma_wait3A_85 = tpu.memref_slice %arg3[%dma_wait3A_83, %dma_wait3A_84] : memref<1000000x64xf32, #tpu.memory_space<hbm>> -> memref<1000000x64xf32, #tpu.memory_space<hbm>>
      tpu.wait_indirect_dma semaphore(%arg11 : memref<!tpu.dma_semaphore, #tpu.memory_space<semaphore_mem>>) src(%dma_wait3A_85 : memref<1000000x64xf32, #tpu.memory_space<hbm>>) dst(%arg7 : memref<128x64xf32, #tpu.memory_space<vmem>>)
      %scan3A_86 = arith.constant 0 : i32
      %scan3A_87 = arith.constant 0 : i32
      %scan3A_88 = arith.constant 128 : i32
      %scan3A_89 = arith.addi %scan3A_87, %scan3A_88 : i32
      %scan3A_90 = arith.constant 1 : i32
      scf.for %scan3A_162 = %scan3A_87 to %scan3A_89 step %scan3A_90  : i32 {
        %get3A = arith.index_cast %scan3A_162 : i32 to index
        %get3A_163 = arith.constant 0 : index
        %get3A_164 = tpu.vector_load %arg7[%get3A, %get3A_163] {strides = array<i32>} : memref<128x64xf32, #tpu.memory_space<vmem>>, vector<1x16xf32>,
        %get3A_165 = vector.shape_cast %get3A_164 : vector<1x16xf32> to vector<16xf32>
        %mul3A_166 = arith.constant 8.000000e+00 : f32
        %mul3A_167 = vector.broadcast %mul3A_166 : f32 to vector<16xf32>
        %mul3A_168 = arith.mulf %get3A_165, %mul3A_167 : vector<16xf32>
        %swap3A = arith.index_cast %scan3A_162 : i32 to index
        %swap3A_169 = arith.constant 0 : index
        %swap3A_170 = tpu.vector_load %arg7[%swap3A, %swap3A_169] {strides = array<i32>} : memref<128x64xf32, #tpu.memory_space<vmem>>, vector<1x16xf32>,
        %swap3A_171 = vector.shape_cast %swap3A_170 : vector<1x16xf32> to vector<16xf32>
        %swap3A_172 = vector.shape_cast %mul3A_168 : vector<16xf32> to vector<1x16xf32>
        tpu.vector_store %arg7[%swap3A, %swap3A_169], %swap3A_172 {strides = array<i32>} : memref<128x64xf32, #tpu.memory_space<vmem>>, vector<1x16xf32>,
        %get3A_173 = arith.index_cast %scan3A_162 : i32 to index
        %get3A_174 = arith.constant 16 : index
        %get3A_175 = tpu.vector_load %arg7[%get3A_173, %get3A_174] {strides = array<i32>} : memref<128x64xf32, #tpu.memory_space<vmem>>, vector<1x16xf32>,
        %get3A_176 = vector.shape_cast %get3A_175 : vector<1x16xf32> to vector<16xf32>
        %mul3A_177 = arith.constant 8.000000e+00 : f32
        %mul3A_178 = vector.broadcast %mul3A_177 : f32 to vector<16xf32>
        %mul3A_179 = arith.mulf %get3A_176, %mul3A_178 : vector<16xf32>
        %swap3A_180 = arith.index_cast %scan3A_162 : i32 to index
        %swap3A_181 = arith.constant 16 : index
        %swap3A_182 = tpu.vector_load %arg7[%swap3A_180, %swap3A_181] {strides = array<i32>} : memref<128x64xf32, #tpu.memory_space<vmem>>, vector<1x16xf32>,
        %swap3A_183 = vector.shape_cast %swap3A_182 : vector<1x16xf32> to vector<16xf32>
        %swap3A_184 = vector.shape_cast %mul3A_179 : vector<16xf32> to vector<1x16xf32>
        tpu.vector_store %arg7[%swap3A_180, %swap3A_181], %swap3A_184 {strides = array<i32>} : memref<128x64xf32, #tpu.memory_space<vmem>>, vector<1x16xf32>,
        %get3A_185 = arith.index_cast %scan3A_162 : i32 to index
        %get3A_186 = arith.constant 32 : index
        %get3A_187 = tpu.vector_load %arg7[%get3A_185, %get3A_186] {strides = array<i32>} : memref<128x64xf32, #tpu.memory_space<vmem>>, vector<1x16xf32>,
        %get3A_188 = vector.shape_cast %get3A_187 : vector<1x16xf32> to vector<16xf32>
        %mul3A_189 = arith.constant 8.000000e+00 : f32
        %mul3A_190 = vector.broadcast %mul3A_189 : f32 to vector<16xf32>
        %mul3A_191 = arith.mulf %get3A_188, %mul3A_190 : vector<16xf32>
        %swap3A_192 = arith.index_cast %scan3A_162 : i32 to index
        %swap3A_193 = arith.constant 32 : index
        %swap3A_194 = tpu.vector_load %arg7[%swap3A_192, %swap3A_193] {strides = array<i32>} : memref<128x64xf32, #tpu.memory_space<vmem>>, vector<1x16xf32>,
        %swap3A_195 = vector.shape_cast %swap3A_194 : vector<1x16xf32> to vector<16xf32>
        %swap3A_196 = vector.shape_cast %mul3A_191 : vector<16xf32> to vector<1x16xf32>
        tpu.vector_store %arg7[%swap3A_192, %swap3A_193], %swap3A_196 {strides = array<i32>} : memref<128x64xf32, #tpu.memory_space<vmem>>, vector<1x16xf32>,
        %get3A_197 = arith.index_cast %scan3A_162 : i32 to index
        %get3A_198 = arith.constant 48 : index
        %get3A_199 = tpu.vector_load %arg7[%get3A_197, %get3A_198] {strides = array<i32>} : memref<128x64xf32, #tpu.memory_space<vmem>>, vector<1x16xf32>,
        %get3A_200 = vector.shape_cast %get3A_199 : vector<1x16xf32> to vector<16xf32>
        %mul3A_201 = arith.constant 8.000000e+00 : f32
        %mul3A_202 = vector.broadcast %mul3A_201 : f32 to vector<16xf32>
        %mul3A_203 = arith.mulf %get3A_200, %mul3A_202 : vector<16xf32>
        %swap3A_204 = arith.index_cast %scan3A_162 : i32 to index
        %swap3A_205 = arith.constant 48 : index
        %swap3A_206 = tpu.vector_load %arg7[%swap3A_204, %swap3A_205] {strides = array<i32>} : memref<128x64xf32, #tpu.memory_space<vmem>>, vector<1x16xf32>,
        %swap3A_207 = vector.shape_cast %swap3A_206 : vector<1x16xf32> to vector<16xf32>
        %swap3A_208 = vector.shape_cast %mul3A_203 : vector<16xf32> to vector<1x16xf32>
        tpu.vector_store %arg7[%swap3A_204, %swap3A_205], %swap3A_208 {strides = array<i32>} : memref<128x64xf32, #tpu.memory_space<vmem>>, vector<1x16xf32>,
      }
      %scan3A_91 = arith.constant 128 : i32
      %mul3A_92 = arith.constant 128 : i32
      %mul3A_93 = arith.muli %add3A_79, %mul3A_92 : i32
      %add3A_94 = arith.addi %mul3A_2, %mul3A_93 : i32
      %dma_start3A_95 = arith.constant 0 : i32
      %dma_start3A_96 = tpu.memref_slice %arg4[%add3A_94, %dma_start3A_95] : memref<819200x64xf32, #tpu.memory_space<hbm>> -> memref<128x64xf32, #tpu.memory_space<hbm>>
      %dma_start3A_97 = arith.constant 0 : i32
      %dma_start3A_98 = tpu.memref_slice %arg4[%add3A_94, %dma_start3A_97] : memref<819200x64xf32, #tpu.memory_space<hbm>> -> memref<128x64xf32, #tpu.memory_space<hbm>>
      tpu.enqueue_dma source(%arg7 : memref<128x64xf32, #tpu.memory_space<vmem>>) target(%dma_start3A_98 : memref<128x64xf32, #tpu.memory_space<hbm>>) target_semaphore(%arg15 : memref<!tpu.dma_semaphore, #tpu.memory_space<semaphore_mem>>)
      %add3A_99 = arith.constant 4 : i32
      %add3A_100 = arith.addi %add3A_79, %add3A_99 : i32
      %lt3A_101 = arith.constant 200 : i32
      %lt3A_102 = arith.cmpi slt, %add3A_100, %lt3A_101 : i32
      %convert_element_type3A_103 = arith.extui %lt3A_102 : i1 to i32
      %cond3A_104 = arith.constant 0 : i32
      %cond3A_105 = arith.cmpi ne, %convert_element_type3A_103, %cond3A_104 : i32
      scf.if %cond3A_105 {
        %mul3A_162 = arith.constant 128 : i32
        %mul3A_163 = arith.muli %add3A_79, %mul3A_162 : i32
        %add3A_164 = arith.addi %mul3A_2, %mul3A_163 : i32
        %dma_wait3A_165 = arith.constant 0 : i32
        %dma_wait3A_166 = tpu.memref_slice %arg4[%add3A_164, %dma_wait3A_165] : memref<819200x64xf32, #tpu.memory_space<hbm>> -> memref<128x64xf32, #tpu.memory_space<hbm>>
        %dma_wait3A_167 = arith.constant 0 : i32
        %dma_wait3A_168 = tpu.memref_slice %arg4[%add3A_164, %dma_wait3A_167] : memref<819200x64xf32, #tpu.memory_space<hbm>> -> memref<128x64xf32, #tpu.memory_space<hbm>>
        tpu.wait_dma2 semaphore(%arg15 : memref<!tpu.dma_semaphore, #tpu.memory_space<semaphore_mem>>) src(%arg7 : memref<128x64xf32, #tpu.memory_space<vmem>>) dst(%dma_wait3A_168 : memref<128x64xf32, #tpu.memory_space<hbm>>)
        %mul3A_169 = arith.constant 128 : i32
        %mul3A_170 = arith.muli %add3A_100, %mul3A_169 : i32
        %dma_start3A_171 = tpu.memref_slice %arg5[%mul3A_170] : memref<25600xi32, #tpu.memory_space<vmem>> -> memref<128xi32, #tpu.memory_space<vmem>>
        %dma_start3A_172 = arith.constant 0 : i32
        %dma_start3A_173 = arith.constant 0 : i32
        %dma_start3A_174 = tpu.memref_slice %arg3[%dma_start3A_172, %dma_start3A_173] : memref<1000000x64xf32, #tpu.memory_space<hbm>> -> memref<1000000x64xf32, #tpu.memory_space<hbm>>
        tpu.enqueue_indirect_dma source(%dma_start3A_174 : memref<1000000x64xf32, #tpu.memory_space<hbm>>) target(%arg7 : memref<128x64xf32, #tpu.memory_space<vmem>>) offsets(%dma_start3A_171 : memref<128xi32, #tpu.memory_space<vmem>>) semaphore(%arg11 : memref<!tpu.dma_semaphore, #tpu.memory_space<semaphore_mem>>)
      } else {
      }
      %add3A_106 = arith.constant 2 : i32
      %add3A_107 = arith.addi %mul3A_52, %add3A_106 : i32
      %mul3A_108 = arith.constant 128 : i32
      %mul3A_109 = arith.muli %add3A_107, %mul3A_108 : i32
      %dma_wait3A_110 = tpu.memref_slice %arg5[%mul3A_109] : memref<25600xi32, #tpu.memory_space<vmem>> -> memref<128xi32, #tpu.memory_space<vmem>>
      %dma_wait3A_111 = arith.constant 0 : i32
      %dma_wait3A_112 = arith.constant 0 : i32
      %dma_wait3A_113 = tpu.memref_slice %arg3[%dma_wait3A_111, %dma_wait3A_112] : memref<1000000x64xf32, #tpu.memory_space<hbm>> -> memref<1000000x64xf32, #tpu.memory_space<hbm>>
      tpu.wait_indirect_dma semaphore(%arg12 : memref<!tpu.dma_semaphore, #tpu.memory_space<semaphore_mem>>) src(%dma_wait3A_113 : memref<1000000x64xf32, #tpu.memory_space<hbm>>) dst(%arg8 : memref<128x64xf32, #tpu.memory_space<vmem>>)
      %scan3A_114 = arith.constant 0 : i32
      %scan3A_115 = arith.constant 0 : i32
      %scan3A_116 = arith.constant 128 : i32
      %scan3A_117 = arith.addi %scan3A_115, %scan3A_116 : i32
      %scan3A_118 = arith.constant 1 : i32
      scf.for %scan3A_162 = %scan3A_115 to %scan3A_117 step %scan3A_118  : i32 {
        %get3A = arith.index_cast %scan3A_162 : i32 to index
        %get3A_163 = arith.constant 0 : index
        %get3A_164 = tpu.vector_load %arg8[%get3A, %get3A_163] {strides = array<i32>} : memref<128x64xf32, #tpu.memory_space<vmem>>, vector<1x16xf32>,
        %get3A_165 = vector.shape_cast %get3A_164 : vector<1x16xf32> to vector<16xf32>
        %mul3A_166 = arith.constant 8.000000e+00 : f32
        %mul3A_167 = vector.broadcast %mul3A_166 : f32 to vector<16xf32>
        %mul3A_168 = arith.mulf %get3A_165, %mul3A_167 : vector<16xf32>
        %swap3A = arith.index_cast %scan3A_162 : i32 to index
        %swap3A_169 = arith.constant 0 : index
        %swap3A_170 = tpu.vector_load %arg8[%swap3A, %swap3A_169] {strides = array<i32>} : memref<128x64xf32, #tpu.memory_space<vmem>>, vector<1x16xf32>,
        %swap3A_171 = vector.shape_cast %swap3A_170 : vector<1x16xf32> to vector<16xf32>
        %swap3A_172 = vector.shape_cast %mul3A_168 : vector<16xf32> to vector<1x16xf32>
        tpu.vector_store %arg8[%swap3A, %swap3A_169], %swap3A_172 {strides = array<i32>} : memref<128x64xf32, #tpu.memory_space<vmem>>, vector<1x16xf32>,
        %get3A_173 = arith.index_cast %scan3A_162 : i32 to index
        %get3A_174 = arith.constant 16 : index
        %get3A_175 = tpu.vector_load %arg8[%get3A_173, %get3A_174] {strides = array<i32>} : memref<128x64xf32, #tpu.memory_space<vmem>>, vector<1x16xf32>,
        %get3A_176 = vector.shape_cast %get3A_175 : vector<1x16xf32> to vector<16xf32>
        %mul3A_177 = arith.constant 8.000000e+00 : f32
        %mul3A_178 = vector.broadcast %mul3A_177 : f32 to vector<16xf32>
        %mul3A_179 = arith.mulf %get3A_176, %mul3A_178 : vector<16xf32>
        %swap3A_180 = arith.index_cast %scan3A_162 : i32 to index
        %swap3A_181 = arith.constant 16 : index
        %swap3A_182 = tpu.vector_load %arg8[%swap3A_180, %swap3A_181] {strides = array<i32>} : memref<128x64xf32, #tpu.memory_space<vmem>>, vector<1x16xf32>,
        %swap3A_183 = vector.shape_cast %swap3A_182 : vector<1x16xf32> to vector<16xf32>
        %swap3A_184 = vector.shape_cast %mul3A_179 : vector<16xf32> to vector<1x16xf32>
        tpu.vector_store %arg8[%swap3A_180, %swap3A_181], %swap3A_184 {strides = array<i32>} : memref<128x64xf32, #tpu.memory_space<vmem>>, vector<1x16xf32>,
        %get3A_185 = arith.index_cast %scan3A_162 : i32 to index
        %get3A_186 = arith.constant 32 : index
        %get3A_187 = tpu.vector_load %arg8[%get3A_185, %get3A_186] {strides = array<i32>} : memref<128x64xf32, #tpu.memory_space<vmem>>, vector<1x16xf32>,
        %get3A_188 = vector.shape_cast %get3A_187 : vector<1x16xf32> to vector<16xf32>
        %mul3A_189 = arith.constant 8.000000e+00 : f32
        %mul3A_190 = vector.broadcast %mul3A_189 : f32 to vector<16xf32>
        %mul3A_191 = arith.mulf %get3A_188, %mul3A_190 : vector<16xf32>
        %swap3A_192 = arith.index_cast %scan3A_162 : i32 to index
        %swap3A_193 = arith.constant 32 : index
        %swap3A_194 = tpu.vector_load %arg8[%swap3A_192, %swap3A_193] {strides = array<i32>} : memref<128x64xf32, #tpu.memory_space<vmem>>, vector<1x16xf32>,
        %swap3A_195 = vector.shape_cast %swap3A_194 : vector<1x16xf32> to vector<16xf32>
        %swap3A_196 = vector.shape_cast %mul3A_191 : vector<16xf32> to vector<1x16xf32>
        tpu.vector_store %arg8[%swap3A_192, %swap3A_193], %swap3A_196 {strides = array<i32>} : memref<128x64xf32, #tpu.memory_space<vmem>>, vector<1x16xf32>,
        %get3A_197 = arith.index_cast %scan3A_162 : i32 to index
        %get3A_198 = arith.constant 48 : index
        %get3A_199 = tpu.vector_load %arg8[%get3A_197, %get3A_198] {strides = array<i32>} : memref<128x64xf32, #tpu.memory_space<vmem>>, vector<1x16xf32>,
        %get3A_200 = vector.shape_cast %get3A_199 : vector<1x16xf32> to vector<16xf32>
        %mul3A_201 = arith.constant 8.000000e+00 : f32
        %mul3A_202 = vector.broadcast %mul3A_201 : f32 to vector<16xf32>
        %mul3A_203 = arith.mulf %get3A_200, %mul3A_202 : vector<16xf32>
        %swap3A_204 = arith.index_cast %scan3A_162 : i32 to index
        %swap3A_205 = arith.constant 48 : index
        %swap3A_206 = tpu.vector_load %arg8[%swap3A_204, %swap3A_205] {strides = array<i32>} : memref<128x64xf32, #tpu.memory_space<vmem>>, vector<1x16xf32>,
        %swap3A_207 = vector.shape_cast %swap3A_206 : vector<1x16xf32> to vector<16xf32>
        %swap3A_208 = vector.shape_cast %mul3A_203 : vector<16xf32> to vector<1x16xf32>
        tpu.vector_store %arg8[%swap3A_204, %swap3A_205], %swap3A_208 {strides = array<i32>} : memref<128x64xf32, #tpu.memory_space<vmem>>, vector<1x16xf32>,
      }
      %scan3A_119 = arith.constant 128 : i32
      %mul3A_120 = arith.constant 128 : i32
      %mul3A_121 = arith.muli %add3A_107, %mul3A_120 : i32
      %add3A_122 = arith.addi %mul3A_2, %mul3A_121 : i32
      %dma_start3A_123 = arith.constant 0 : i32
      %dma_start3A_124 = tpu.memref_slice %arg4[%add3A_122, %dma_start3A_123] : memref<819200x64xf32, #tpu.memory_space<hbm>> -> memref<128x64xf32, #tpu.memory_space<hbm>>
      %dma_start3A_125 = arith.constant 0 : i32
      %dma_start3A_126 = tpu.memref_slice %arg4[%add3A_122, %dma_start3A_125] : memref<819200x64xf32, #tpu.memory_space<hbm>> -> memref<128x64xf32, #tpu.memory_space<hbm>>
      tpu.enqueue_dma source(%arg8 : memref<128x64xf32, #tpu.memory_space<vmem>>) target(%dma_start3A_126 : memref<128x64xf32, #tpu.memory_space<hbm>>) target_semaphore(%arg16 : memref<!tpu.dma_semaphore, #tpu.memory_space<semaphore_mem>>)
      %add3A_127 = arith.constant 4 : i32
      %add3A_128 = arith.addi %add3A_107, %add3A_127 : i32
      %lt3A_129 = arith.constant 200 : i32
      %lt3A_130 = arith.cmpi slt, %add3A_128, %lt3A_129 : i32
      %convert_element_type3A_131 = arith.extui %lt3A_130 : i1 to i32
      %cond3A_132 = arith.constant 0 : i32
      %cond3A_133 = arith.cmpi ne, %convert_element_type3A_131, %cond3A_132 : i32
      scf.if %cond3A_133 {
        %mul3A_162 = arith.constant 128 : i32
        %mul3A_163 = arith.muli %add3A_107, %mul3A_162 : i32
        %add3A_164 = arith.addi %mul3A_2, %mul3A_163 : i32
        %dma_wait3A_165 = arith.constant 0 : i32
        %dma_wait3A_166 = tpu.memref_slice %arg4[%add3A_164, %dma_wait3A_165] : memref<819200x64xf32, #tpu.memory_space<hbm>> -> memref<128x64xf32, #tpu.memory_space<hbm>>
        %dma_wait3A_167 = arith.constant 0 : i32
        %dma_wait3A_168 = tpu.memref_slice %arg4[%add3A_164, %dma_wait3A_167] : memref<819200x64xf32, #tpu.memory_space<hbm>> -> memref<128x64xf32, #tpu.memory_space<hbm>>
        tpu.wait_dma2 semaphore(%arg16 : memref<!tpu.dma_semaphore, #tpu.memory_space<semaphore_mem>>) src(%arg8 : memref<128x64xf32, #tpu.memory_space<vmem>>) dst(%dma_wait3A_168 : memref<128x64xf32, #tpu.memory_space<hbm>>)
        %mul3A_169 = arith.constant 128 : i32
        %mul3A_170 = arith.muli %add3A_128, %mul3A_169 : i32
        %dma_start3A_171 = tpu.memref_slice %arg5[%mul3A_170] : memref<25600xi32, #tpu.memory_space<vmem>> -> memref<128xi32, #tpu.memory_space<vmem>>
        %dma_start3A_172 = arith.constant 0 : i32
        %dma_start3A_173 = arith.constant 0 : i32
        %dma_start3A_174 = tpu.memref_slice %arg3[%dma_start3A_172, %dma_start3A_173] : memref<1000000x64xf32, #tpu.memory_space<hbm>> -> memref<1000000x64xf32, #tpu.memory_space<hbm>>
        tpu.enqueue_indirect_dma source(%dma_start3A_174 : memref<1000000x64xf32, #tpu.memory_space<hbm>>) target(%arg8 : memref<128x64xf32, #tpu.memory_space<vmem>>) offsets(%dma_start3A_171 : memref<128xi32, #tpu.memory_space<vmem>>) semaphore(%arg12 : memref<!tpu.dma_semaphore, #tpu.memory_space<semaphore_mem>>)
      } else {
      }
      %add3A_134 = arith.constant 3 : i32
      %add3A_135 = arith.addi %mul3A_52, %add3A_134 : i32
      %mul3A_136 = arith.constant 128 : i32
      %mul3A_137 = arith.muli %add3A_135, %mul3A_136 : i32
      %dma_wait3A_138 = tpu.memref_slice %arg5[%mul3A_137] : memref<25600xi32, #tpu.memory_space<vmem>> -> memref<128xi32, #tpu.memory_space<vmem>>
      %dma_wait3A_139 = arith.constant 0 : i32
      %dma_wait3A_140 = arith.constant 0 : i32
      %dma_wait3A_141 = tpu.memref_slice %arg3[%dma_wait3A_139, %dma_wait3A_140] : memref<1000000x64xf32, #tpu.memory_space<hbm>> -> memref<1000000x64xf32, #tpu.memory_space<hbm>>
      tpu.wait_indirect_dma semaphore(%arg13 : memref<!tpu.dma_semaphore, #tpu.memory_space<semaphore_mem>>) src(%dma_wait3A_141 : memref<1000000x64xf32, #tpu.memory_space<hbm>>) dst(%arg9 : memref<128x64xf32, #tpu.memory_space<vmem>>)
      %scan3A_142 = arith.constant 0 : i32
      %scan3A_143 = arith.constant 0 : i32
      %scan3A_144 = arith.constant 128 : i32
      %scan3A_145 = arith.addi %scan3A_143, %scan3A_144 : i32
      %scan3A_146 = arith.constant 1 : i32
      scf.for %scan3A_162 = %scan3A_143 to %scan3A_145 step %scan3A_146  : i32 {
        %get3A = arith.index_cast %scan3A_162 : i32 to index
        %get3A_163 = arith.constant 0 : index
        %get3A_164 = tpu.vector_load %arg9[%get3A, %get3A_163] {strides = array<i32>} : memref<128x64xf32, #tpu.memory_space<vmem>>, vector<1x16xf32>,
        %get3A_165 = vector.shape_cast %get3A_164 : vector<1x16xf32> to vector<16xf32>
        %mul3A_166 = arith.constant 8.000000e+00 : f32
        %mul3A_167 = vector.broadcast %mul3A_166 : f32 to vector<16xf32>
        %mul3A_168 = arith.mulf %get3A_165, %mul3A_167 : vector<16xf32>
        %swap3A = arith.index_cast %scan3A_162 : i32 to index
        %swap3A_169 = arith.constant 0 : index
        %swap3A_170 = tpu.vector_load %arg9[%swap3A, %swap3A_169] {strides = array<i32>} : memref<128x64xf32, #tpu.memory_space<vmem>>, vector<1x16xf32>,
        %swap3A_171 = vector.shape_cast %swap3A_170 : vector<1x16xf32> to vector<16xf32>
        %swap3A_172 = vector.shape_cast %mul3A_168 : vector<16xf32> to vector<1x16xf32>
        tpu.vector_store %arg9[%swap3A, %swap3A_169], %swap3A_172 {strides = array<i32>} : memref<128x64xf32, #tpu.memory_space<vmem>>, vector<1x16xf32>,
        %get3A_173 = arith.index_cast %scan3A_162 : i32 to index
        %get3A_174 = arith.constant 16 : index
        %get3A_175 = tpu.vector_load %arg9[%get3A_173, %get3A_174] {strides = array<i32>} : memref<128x64xf32, #tpu.memory_space<vmem>>, vector<1x16xf32>,
        %get3A_176 = vector.shape_cast %get3A_175 : vector<1x16xf32> to vector<16xf32>
        %mul3A_177 = arith.constant 8.000000e+00 : f32
        %mul3A_178 = vector.broadcast %mul3A_177 : f32 to vector<16xf32>
        %mul3A_179 = arith.mulf %get3A_176, %mul3A_178 : vector<16xf32>
        %swap3A_180 = arith.index_cast %scan3A_162 : i32 to index
        %swap3A_181 = arith.constant 16 : index
        %swap3A_182 = tpu.vector_load %arg9[%swap3A_180, %swap3A_181] {strides = array<i32>} : memref<128x64xf32, #tpu.memory_space<vmem>>, vector<1x16xf32>,
        %swap3A_183 = vector.shape_cast %swap3A_182 : vector<1x16xf32> to vector<16xf32>
        %swap3A_184 = vector.shape_cast %mul3A_179 : vector<16xf32> to vector<1x16xf32>
        tpu.vector_store %arg9[%swap3A_180, %swap3A_181], %swap3A_184 {strides = array<i32>} : memref<128x64xf32, #tpu.memory_space<vmem>>, vector<1x16xf32>,
        %get3A_185 = arith.index_cast %scan3A_162 : i32 to index
        %get3A_186 = arith.constant 32 : index
        %get3A_187 = tpu.vector_load %arg9[%get3A_185, %get3A_186] {strides = array<i32>} : memref<128x64xf32, #tpu.memory_space<vmem>>, vector<1x16xf32>,
        %get3A_188 = vector.shape_cast %get3A_187 : vector<1x16xf32> to vector<16xf32>
        %mul3A_189 = arith.constant 8.000000e+00 : f32
        %mul3A_190 = vector.broadcast %mul3A_189 : f32 to vector<16xf32>
        %mul3A_191 = arith.mulf %get3A_188, %mul3A_190 : vector<16xf32>
        %swap3A_192 = arith.index_cast %scan3A_162 : i32 to index
        %swap3A_193 = arith.constant 32 : index
        %swap3A_194 = tpu.vector_load %arg9[%swap3A_192, %swap3A_193] {strides = array<i32>} : memref<128x64xf32, #tpu.memory_space<vmem>>, vector<1x16xf32>,
        %swap3A_195 = vector.shape_cast %swap3A_194 : vector<1x16xf32> to vector<16xf32>
        %swap3A_196 = vector.shape_cast %mul3A_191 : vector<16xf32> to vector<1x16xf32>
        tpu.vector_store %arg9[%swap3A_192, %swap3A_193], %swap3A_196 {strides = array<i32>} : memref<128x64xf32, #tpu.memory_space<vmem>>, vector<1x16xf32>,
        %get3A_197 = arith.index_cast %scan3A_162 : i32 to index
        %get3A_198 = arith.constant 48 : index
        %get3A_199 = tpu.vector_load %arg9[%get3A_197, %get3A_198] {strides = array<i32>} : memref<128x64xf32, #tpu.memory_space<vmem>>, vector<1x16xf32>,
        %get3A_200 = vector.shape_cast %get3A_199 : vector<1x16xf32> to vector<16xf32>
        %mul3A_201 = arith.constant 8.000000e+00 : f32
        %mul3A_202 = vector.broadcast %mul3A_201 : f32 to vector<16xf32>
        %mul3A_203 = arith.mulf %get3A_200, %mul3A_202 : vector<16xf32>
        %swap3A_204 = arith.index_cast %scan3A_162 : i32 to index
        %swap3A_205 = arith.constant 48 : index
        %swap3A_206 = tpu.vector_load %arg9[%swap3A_204, %swap3A_205] {strides = array<i32>} : memref<128x64xf32, #tpu.memory_space<vmem>>, vector<1x16xf32>,
        %swap3A_207 = vector.shape_cast %swap3A_206 : vector<1x16xf32> to vector<16xf32>
        %swap3A_208 = vector.shape_cast %mul3A_203 : vector<16xf32> to vector<1x16xf32>
        tpu.vector_store %arg9[%swap3A_204, %swap3A_205], %swap3A_208 {strides = array<i32>} : memref<128x64xf32, #tpu.memory_space<vmem>>, vector<1x16xf32>,
      }
      %scan3A_147 = arith.constant 128 : i32
      %mul3A_148 = arith.constant 128 : i32
      %mul3A_149 = arith.muli %add3A_135, %mul3A_148 : i32
      %add3A_150 = arith.addi %mul3A_2, %mul3A_149 : i32
      %dma_start3A_151 = arith.constant 0 : i32
      %dma_start3A_152 = tpu.memref_slice %arg4[%add3A_150, %dma_start3A_151] : memref<819200x64xf32, #tpu.memory_space<hbm>> -> memref<128x64xf32, #tpu.memory_space<hbm>>
      %dma_start3A_153 = arith.constant 0 : i32
      %dma_start3A_154 = tpu.memref_slice %arg4[%add3A_150, %dma_start3A_153] : memref<819200x64xf32, #tpu.memory_space<hbm>> -> memref<128x64xf32, #tpu.memory_space<hbm>>
      tpu.enqueue_dma source(%arg9 : memref<128x64xf32, #tpu.memory_space<vmem>>) target(%dma_start3A_154 : memref<128x64xf32, #tpu.memory_space<hbm>>) target_semaphore(%arg17 : memref<!tpu.dma_semaphore, #tpu.memory_space<semaphore_mem>>)
      %add3A_155 = arith.constant 4 : i32
      %add3A_156 = arith.addi %add3A_135, %add3A_155 : i32
      %lt3A_157 = arith.constant 200 : i32
      %lt3A_158 = arith.cmpi slt, %add3A_156, %lt3A_157 : i32
      %convert_element_type3A_159 = arith.extui %lt3A_158 : i1 to i32
      %cond3A_160 = arith.constant 0 : i32
      %cond3A_161 = arith.cmpi ne, %convert_element_type3A_159, %cond3A_160 : i32
      scf.if %cond3A_161 {
        %mul3A_162 = arith.constant 128 : i32
        %mul3A_163 = arith.muli %add3A_135, %mul3A_162 : i32
        %add3A_164 = arith.addi %mul3A_2, %mul3A_163 : i32
        %dma_wait3A_165 = arith.constant 0 : i32
        %dma_wait3A_166 = tpu.memref_slice %arg4[%add3A_164, %dma_wait3A_165] : memref<819200x64xf32, #tpu.memory_space<hbm>> -> memref<128x64xf32, #tpu.memory_space<hbm>>
        %dma_wait3A_167 = arith.constant 0 : i32
        %dma_wait3A_168 = tpu.memref_slice %arg4[%add3A_164, %dma_wait3A_167] : memref<819200x64xf32, #tpu.memory_space<hbm>> -> memref<128x64xf32, #tpu.memory_space<hbm>>
        tpu.wait_dma2 semaphore(%arg17 : memref<!tpu.dma_semaphore, #tpu.memory_space<semaphore_mem>>) src(%arg9 : memref<128x64xf32, #tpu.memory_space<vmem>>) dst(%dma_wait3A_168 : memref<128x64xf32, #tpu.memory_space<hbm>>)
        %mul3A_169 = arith.constant 128 : i32
        %mul3A_170 = arith.muli %add3A_156, %mul3A_169 : i32
        %dma_start3A_171 = tpu.memref_slice %arg5[%mul3A_170] : memref<25600xi32, #tpu.memory_space<vmem>> -> memref<128xi32, #tpu.memory_space<vmem>>
        %dma_start3A_172 = arith.constant 0 : i32
        %dma_start3A_173 = arith.constant 0 : i32
        %dma_start3A_174 = tpu.memref_slice %arg3[%dma_start3A_172, %dma_start3A_173] : memref<1000000x64xf32, #tpu.memory_space<hbm>> -> memref<1000000x64xf32, #tpu.memory_space<hbm>>
        tpu.enqueue_indirect_dma source(%dma_start3A_174 : memref<1000000x64xf32, #tpu.memory_space<hbm>>) target(%arg9 : memref<128x64xf32, #tpu.memory_space<vmem>>) offsets(%dma_start3A_171 : memref<128xi32, #tpu.memory_space<vmem>>) semaphore(%arg13 : memref<!tpu.dma_semaphore, #tpu.memory_space<semaphore_mem>>)
      } else {
      }
    }
    %scan3A_26 = arith.constant 50 : i32
    %add3A_27 = arith.constant 25088 : i32
    %add3A_28 = arith.addi %mul3A_2, %add3A_27 : i32
    %dma_wait3A = arith.constant 0 : i32
    %dma_wait3A_29 = tpu.memref_slice %arg4[%add3A_28, %dma_wait3A] : memref<819200x64xf32, #tpu.memory_space<hbm>> -> memref<128x64xf32, #tpu.memory_space<hbm>>
    %dma_wait3A_30 = arith.constant 0 : i32
    %dma_wait3A_31 = tpu.memref_slice %arg4[%add3A_28, %dma_wait3A_30] : memref<819200x64xf32, #tpu.memory_space<hbm>> -> memref<128x64xf32, #tpu.memory_space<hbm>>
    tpu.wait_dma2 semaphore(%arg14 : memref<!tpu.dma_semaphore, #tpu.memory_space<semaphore_mem>>) src(%arg6 : memref<128x64xf32, #tpu.memory_space<vmem>>) dst(%dma_wait3A_31 : memref<128x64xf32, #tpu.memory_space<hbm>>)
    %add3A_32 = arith.constant 25216 : i32
    %add3A_33 = arith.addi %mul3A_2, %add3A_32 : i32
    %dma_wait3A_34 = arith.constant 0 : i32
    %dma_wait3A_35 = tpu.memref_slice %arg4[%add3A_33, %dma_wait3A_34] : memref<819200x64xf32, #tpu.memory_space<hbm>> -> memref<128x64xf32, #tpu.memory_space<hbm>>
    %dma_wait3A_36 = arith.constant 0 : i32
    %dma_wait3A_37 = tpu.memref_slice %arg4[%add3A_33, %dma_wait3A_36] : memref<819200x64xf32, #tpu.memory_space<hbm>> -> memref<128x64xf32, #tpu.memory_space<hbm>>
    tpu.wait_dma2 semaphore(%arg15 : memref<!tpu.dma_semaphore, #tpu.memory_space<semaphore_mem>>) src(%arg7 : memref<128x64xf32, #tpu.memory_space<vmem>>) dst(%dma_wait3A_37 : memref<128x64xf32, #tpu.memory_space<hbm>>)
    %add3A_38 = arith.constant 25344 : i32
    %add3A_39 = arith.addi %mul3A_2, %add3A_38 : i32
    %dma_wait3A_40 = arith.constant 0 : i32
    %dma_wait3A_41 = tpu.memref_slice %arg4[%add3A_39, %dma_wait3A_40] : memref<819200x64xf32, #tpu.memory_space<hbm>> -> memref<128x64xf32, #tpu.memory_space<hbm>>
    %dma_wait3A_42 = arith.constant 0 : i32
    %dma_wait3A_43 = tpu.memref_slice %arg4[%add3A_39, %dma_wait3A_42] : memref<819200x64xf32, #tpu.memory_space<hbm>> -> memref<128x64xf32, #tpu.memory_space<hbm>>
    tpu.wait_dma2 semaphore(%arg16 : memref<!tpu.dma_semaphore, #tpu.memory_space<semaphore_mem>>) src(%arg8 : memref<128x64xf32, #tpu.memory_space<vmem>>) dst(%dma_wait3A_43 : memref<128x64xf32, #tpu.memory_space<hbm>>)
    %add3A_44 = arith.constant 25472 : i32
    %add3A_45 = arith.addi %mul3A_2, %add3A_44 : i32
    %dma_wait3A_46 = arith.constant 0 : i32
    %dma_wait3A_47 = tpu.memref_slice %arg4[%add3A_45, %dma_wait3A_46] : memref<819200x64xf32, #tpu.memory_space<hbm>> -> memref<128x64xf32, #tpu.memory_space<hbm>>
    %dma_wait3A_48 = arith.constant 0 : i32
    %dma_wait3A_49 = tpu.memref_slice %arg4[%add3A_45, %dma_wait3A_48] : memref<819200x64xf32, #tpu.memory_space<hbm>> -> memref<128x64xf32, #tpu.memory_space<hbm>>
    tpu.wait_dma2 semaphore(%arg17 : memref<!tpu.dma_semaphore, #tpu.memory_space<semaphore_mem>>) src(%arg9 : memref<128x64xf32, #tpu.memory_space<vmem>>) dst(%dma_wait3A_49 : memref<128x64xf32, #tpu.memory_space<hbm>>)
    return
  }
}

</mosaic_0001>

<sc_bundles>
// kernel: _run.3.cloned.1.call-start
scs
__scs_entry_jumppad:
0x0: {  	(pc) =	sbr.rel $0x88, $3  }
0x1: {  	(tag) =	ssettag $0x0;
	lr =	simm.s32 $0x1  }
0x2: {  	[smem:$0x3F9F] =	sst lr;
	_ =	strace $0xD0000000  }
0x3: {  	_ = 	snop  }
0x4: {  	_ = 	snop  }
0x5: {  	_ = 	snop  }
0x6: {  	_ = 	snop  }
0x7: {  	_ = 	snop  }
__scs_overlays_trampoline_lowered:
0x8: {  	[smem:$0x3FAE] =	sst s0  }
0x9: {  	[smem:$0x3FAF] =	sst s1  }
0xa: {  	[smem:$0x3FB0] =	sst s2  }
0xb: {  	[smem:$0x3FB1] =	sst s3  }
0xc: {  	[smem:$0x3FB2] =	sst s4  }
0xd: {  	[smem:$0x3FB3] =	sst s5  }
0xe: {  	[smem:$0x3FB4] =	sst s6  }
0xf: {  	[smem:$0x3FB5] =	sst s7  }
0x10: {  	[smem:$0x3FB6] =	sst s8  }
0x11: {  	[smem:$0x3FB7] =	sst s9;
	s0 =	simm.s32 @!p0 $0x0  }
0x12: {  	s1 =	sld [smem:$0x3F9D];
	s0 =	simm.s32 @p0 $0x1  }
0x13: {  	[smem:$0x3FB8] =	sst s0;
	s0 =	simm.s32 @!p1 $0x0  }
0x14: {  	s2 =	sld [smem:$0x3F9C];
	s0 =	simm.s32 @p1 $0x1  }
0x15: {  	[smem:$0x3FB9] =	sst s0;
	s0 =	simm.s32 @!p2 $0x0  }
0x16: {  	s3 =	sld [smem:$0x3FDB];
	s0 =	simm.s32 @p2 $0x1  }
0x17: {  	s4 =	simm.s32 $0x1BF5;
	[smem:$0x3FBB] =	sst s0  }
0x18: {  	s0 =	sld [smem:$0x3F9E];
	_ =	swait.ge [sflag:s4], $0x0  }
0x19: {  	s7 =	sld [smem:$0x3F9F]  }
0x1a: {  	s8 =	sadd.s32 $0xFFFFE003, lr  }
0x1b: {  	s9 =	sadd.s32 $0xFFFFFEF7, lr;
	s5 =	simm.s32 $0xFFFFFFFF;
	p2 =	slt.u32 s8, $0xFFFFF086  }
0x1c: {  	p1 =	slt.u32 s9, $0xF7A;
	s5 =	simm.s32 @!p2 $0x0  }
0x1d: {  	s5 =	simm.s32 @p1 $0x1;
	p0 =	seq.s32 s7, s2  }
0x1e: {  	s7 =	smul.u32 @!p0 $0xF7A, s2;
	p2 =	seq.s32 @!p0 s5, $0x0  }
0x1f: {  	s9 =	smul.u32 $0xF7A, s1;
	s8 =	simm.s32 @!p0 $0x1BF5;
	p2 =	por !p2, p0  }
0x20: {  	[sflag:s8] =	ssyncset.s32 @!p0 $0xFFFFF086;
	s6 =	sadd.s32 @!p0 s3, s7;
	s7 =	simm.s32 @!p0 $0x108  }
0x21: {  	s3 =	sadd.s32 s3, s9;
	s6 =	sadd.s32 @!p0 $0x88, s6;
	s7 =	simm.s32 @p2 $0x1082  }
0x22: {  	[simem:s7], [sflag:s8] =	dma.local @!p0 [hbm:s6], $0xF7A  }
0x23: {  	s9 =	sor.u32 $0xD0000000, s2;
	s6 =	simm.s32 $0x108;
	_ =	swait.ge @!p0 [sflag:s8], $0x0  }
0x24: {  	s3 =	sadd.s32 $0x88, s3;
	s6 =	simm.s32 @!p1 $0x1082;
	[sflag:s4] =	ssyncset.s32 $0xFFFFF086  }
0x25: {  	[simem:s6], [sflag:s4] =	dma.local [hbm:s3], $0xF7A  }
0x26: {  	[smem:$0x3F9F] =	sst s1;
	(tag) =	ssettag s2;
	_ =	strace s9  }
0x27: {  	s1 =	sld [smem:$0x3FAF]  }
0x28: {  	s2 =	sld [smem:$0x3FB0]  }
0x29: {  	s4 =	sld [smem:$0x3FB2]  }
0x2a: {  	p0 =	seq.s32 s5, $0x0;
	s5 =	sld [smem:$0x3FB3]  }
0x2b: {  	s6 =	sld [smem:$0x3FB4]  }
0x2c: {  	s7 =	sld [smem:$0x3FB5]  }
0x2d: {  	s3 =	simm.s32 $0x108;
	s8 =	sld [smem:$0x3FB6]  }
0x2e: {  	s3 =	simm.s32 @!p0 $0x1082;
	s9 =	sld [smem:$0x3FB7]  }
0x2f: {  	lr =	sadd.s32 s0, s3;
	s0 =	sld [smem:$0x3FAE]  }
0x30: {  	s3 =	sld [smem:$0x3FB1]  }
0x31: {  	[smem:$0x3FBA] =	sst s10  }
0x32: {  	s10 =	sld [smem:$0x3FB8];
	_ =	sdelay $0x3  }
0x33: {  	p0 =	seq.s32 s10, $0x1;
	s10 =	sld [smem:$0x3FBA];
	_ =	sdelay $0x3  }
0x34: {  	[smem:$0x3FBA] =	sst s10  }
0x35: {  	s10 =	sld [smem:$0x3FB9];
	_ =	sdelay $0x3  }
0x36: {  	p1 =	seq.s32 s10, $0x1;
	s10 =	sld [smem:$0x3FBA];
	_ =	sdelay $0x3  }
0x37: {  	[smem:$0x3FBA] =	sst s10  }
0x38: {  	s10 =	sld [smem:$0x3FBB]  }
0x39: {  	_ = 	snop;
	(pc) =	sbr.ind lr, $3  }
0x3a: {  	_ = 	snop  }
0x3b: {  	_ = 	snop  }
0x3c: {  	p2 =	seq.s32 s10, $0x1;
	s10 =	sld [smem:$0x3FBA]  }
0x3d: {  	_ =	shalt  }
0x3e: {  	_ =	shalt  }
0x3f: {  	_ =	shalt  }
0x40: {  	_ =	shalt  }
0x41: {  	_ =	shalt  }
0x42: {  	_ =	shalt  }
0x43: {  	_ =	shalt  }
0x44: {  	_ =	shalt  }
0x45: {  	_ =	shalt  }
0x46: {  	_ =	shalt  }
0x47: {  	_ =	shalt  }
0x48: {  	_ =	shalt  }
0x49: {  	_ =	shalt  }
0x4a: {  	_ =	shalt  }
0x4b: {  	_ =	shalt  }
0x4c: {  	_ =	shalt  }
0x4d: {  	_ =	shalt  }
0x4e: {  	_ =	shalt  }
0x4f: {  	_ =	shalt  }
0x50: {  	_ =	shalt  }
0x51: {  	_ =	shalt  }
0x52: {  	_ =	shalt  }
0x53: {  	_ =	shalt  }
0x54: {  	_ =	shalt  }
0x55: {  	_ =	shalt  }
0x56: {  	_ =	shalt  }
0x57: {  	_ =	shalt  }
0x58: {  	_ =	shalt  }
0x59: {  	_ =	shalt  }
0x5a: {  	_ =	shalt  }
0x5b: {  	_ =	shalt  }
0x5c: {  	_ =	shalt  }
0x5d: {  	_ =	shalt  }
0x5e: {  	_ =	shalt  }
0x5f: {  	_ =	shalt  }
0x60: {  	_ =	shalt  }
0x61: {  	_ =	shalt  }
0x62: {  	_ =	shalt  }
0x63: {  	_ =	shalt  }
0x64: {  	_ =	shalt  }
0x65: {  	_ =	shalt  }
0x66: {  	_ =	shalt  }
0x67: {  	_ =	shalt  }
0x68: {  	_ =	shalt  }
0x69: {  	_ =	shalt  }
0x6a: {  	_ =	shalt  }
0x6b: {  	_ =	shalt  }
0x6c: {  	_ =	shalt  }
0x6d: {  	_ =	shalt  }
0x6e: {  	_ =	shalt  }
0x6f: {  	_ =	shalt  }
0x70: {  	_ =	shalt  }
0x71: {  	_ =	shalt  }
0x72: {  	_ =	shalt  }
0x73: {  	_ =	shalt  }
0x74: {  	_ =	shalt  }
0x75: {  	_ =	shalt  }
0x76: {  	_ =	shalt  }
0x77: {  	_ =	shalt  }
0x78: {  	_ =	shalt  }
0x79: {  	_ =	shalt  }
0x7a: {  	_ =	shalt  }
0x7b: {  	_ =	shalt  }
0x7c: {  	_ =	shalt  }
0x7d: {  	_ =	shalt  }
0x7e: {  	_ =	shalt  }
0x7f: {  	_ =	shalt  }
0x80: {  	_ =	shalt  }
0x81: {  	_ =	shalt  }
0x82: {  	_ =	shalt  }
0x83: {  	_ =	shalt  }
0x84: {  	_ =	shalt  }
0x85: {  	_ =	shalt  }
0x86: {  	_ =	shalt  }
0x87: {  	_ =	shalt  }
.Lfunc_end0:
.L_simem_size_0:
called_computation.1_lowered:
.L_overlay_start_0:
0x88: {  	s2 =	sld [smem:$0x3FD9]  }
0x89: {  	s3 =	sld [smem:$0x3FFE];
	_ =	sdelay $0x1  }
0x8a: {  	s1 =	srdreg.scid  }
0x8b: {  	s0 =	sand.u32 $0x1, s1  }
0x8c: {  	s17 =	sshll.u32 s0, $0xA;
	s2 =	sadd.s32 s3, s2  }
0x8d: {  	s2 =	sadd.s32 s2, s17  }
0x8e: {  	[smem:$0x3FC6] =	sst s2  }
0x8f: {  	_ = 	snop  }
0x90: {  	s2 =	sld [smem:$0x3FC9]  }
0x91: {  	s18 =	sld [smem:$0x3FD0];
	(tm) =	ssettm $0x1  }
0x92: {  	s4 =	sld [smem:$0x3FFB];
	_ =	sdelay $0x3  }
0x93: {  	_ =	strace s4  }
0x94: {  	s4 =	sld [smem:$0x3FFC];
	_ =	sdelay $0x3  }
0x95: {  	_ =	strace s4  }
0x96: {  	s4 =	sld [smem:$0x3FFD];
	_ =	sdelay $0x3  }
0x97: {  	_ =	strace s4  }
0x98: {  	_ =	strace $0x8FFFFFFF  }
0x99: {  	s19 =	sld [smem:$0x3FDB];
	_ =	sdelay $0x1  }
0x9a: {  	s5 =	simm.s32 $_scs_section_size  }
0x9b: {  	s6 =	simm.s32 $_size__tile_overlayer_lowered;
	s7 =	simm.s32 $_tile_overlayer_lowered  }
0x9c: {  	s22 =	simm.s32 $0x1BFF;
	s21 =	sshll.u32 s7, $0x1;
	s4 =	sadd.s32 s5, s19  }
0x9d: {  	s8 =	simm.s32 $0x0;
	s20 =	sshll.u32 s6, $0x1;
	s6 =	sadd.s32 s21, s4  }
0x9e: {  	[timem:s8], [sflag:s22] =	dma.local [hbm:s6], s20  }
0x9f: {  	_ =	swait.ge [sflag:s22], s20  }
0xa0: {  	s5 =	ssub.s32 $0x0, s20;
	[sflag:s22] =	ssyncset.done $0x0  }
0xa1: {  	[sflag:s22] =	ssyncadd.s32 s5;
	_ =	sdelay $0x1  }
0xa2: {  	s23 =	simm.s32 $0x1B8B  }
0xa3: {  	_ =	swait.ge [sflag:s23], $0x1  }
0xa4: {  	[sflag:s23] =	ssyncset.done $0x0  }
0xa5: {  	s25 =	simm.s32 $0x1B8E;
	s24 =	sld [smem:$0x3FFE];
	[sflag:s23] =	ssyncadd.s32 $0xFFFFFFFF  }
0xa6: {  	s26 =	simm.s32 $execute0_lowered;
	[smem:$0x3FD2] =	sst s25  }
0xa7: {  	s6 =	sshll.u32 s26, $0x1;
	_ =	strace $0x80000046;
	[dreg:$0x1] =	wrdreg $0xFFFFFFFF  }
0xa8: {  	s28 =	simm.s32 $_size_execute0_lowered;
	s4 =	sadd.s32 s4, s6;
	[dreg:$0x0] =	wrdreg $0x0  }
0xa9: {  	s6 =	sshll.u32 s28, $0x1;
	[dreg:$0x2] =	wrdreg s4  }
0xaa: {  	[dreg:$0x3] =	wrdreg s6  }
0xab: {  	[dreg:$0x4] =	wrdreg $0xC0  }
0xac: {  	_ =	task [dreg:s8], $0x5FFFF  }
0xad: {  	[dreg:$0x1] =	wrdreg $0xFFFFFFFF  }
0xae: {  	[dreg:$0x0] =	wrdreg $0x60  }
0xaf: {  	[dreg:$0x2] =	wrdreg s2  }
0xb0: {  	[dreg:$0x3] =	wrdreg s24  }
0xb1: {  	[dreg:$0x4] =	wrdreg s18  }
0xb2: {  	[dreg:$0x5] =	wrdreg $0x9  }
0xb3: {  	_ =	task.clear_ibuf [dreg:s8], $0x6FFFF;
	_ =	strace $0x90000046  }
0xb4: {  	s29 =	simm.s32 $0x9;
	_ =	strace $0x80000048  }
0xb5: {  	_ =	swait.ge [sflag:s29], $0x1  }
0xb6: {  	[sflag:s29] =	ssyncadd.s32 $0xFFFFFFFF  }
0xb7: {  	_ =	strace $0x90000048  }
0xb8: {  	_ =	sfence  }
0xb9: {  	s30 =	sld [smem:$0x0];
	_ =	sdelay $0x2  }
0xba: {  	s31 =	sshll.u32 s1, $0xD;
	s1 =	sshrl.u32 s1, $0x2  }
0xbb: {  	s3 =	sand.u32 $0x4000, s31;
	s1 =	sadd.s32 s1, s30  }
0xbc: {  	s0 =	sor.u32 s3, s0;
	s1 =	sshll.u32 s1, $0x11  }
0xbd: {  	s0 =	sor.u32 s1, s0  }
0xbe: {  	s0 =	sadd.s32 $0x8F2B, s0  }
0xbf: {  	[sflag:s0] =	ssyncadd.remote.s32 $0x1  }
0xc0: {  	_ =	sfence.sel $0xFFFF  }
0xc1: {  	[dreg:$0x0] =	wrdreg $0xFFFFFFFF;
	(pc) =	sbr.abs _section_cstart, $3  }
0xc2: {  	[dreg:$0x1] =	wrdreg $0xFFFFFFFF  }
0xc3: {  	_ =	task.clear_ibuf [dreg:s8], $0x2FFFF;
	_ =	strace $0x9FFFFFFF  }
0xc4: {  	(tm) =	ssettm $0x7FFFFFFF  }
0xc5: {  	_ =	shalt  }
tec
execute0_lowered:
.L_overlay_start_1:
0x0: {  	(tag) =	ssettag $0x1  }
0x1: {  	s0 =	rddreg [dreg:$0x0]  }
0x2: {  	s1 =	rddreg [dreg:$0x1];
	s3 =	srdreg.scid  }
0x3: {  	s5 =	stileid.u32;
	s2 =	rddreg [dreg:$0x2];
	s11 =	simm.s32 $0x9  }
0x4: {  	s12 =	simm.s32 $0x80;
	s13 =	simm.s32 $0x6400;
	s14 =	simm.s32 $0x8400  }
0x5: {  	s16 =	simm.s32 $0xA400;
	s18 =	simm.s32 $0xC400;
	s19 =	simm.s32 $0x1  }
0x6: {  	s20 =	simm.s32 $0x2;
	s21 =	simm.s32 $0x3;
	s22 =	simm.s32 $0x4  }
0x7: {  	s23 =	simm.s32 $0x5;
	s24 =	simm.s32 $0x6;
	s25 =	simm.s32 $0x7  }
0x8: {  	s26 =	simm.s32 $0x8;
	s4 =	sand.u32 $0x1, s3;
	s5 =	sshll.u32 s5, $0x1  }
0x9: {  	s28 =	simm.s32 $0x0;
	s3 =	simm.s32 $0x0;
	s6 =	sor.u32 s4, s5  }
.Ltmp0:
0xa: {  	[smem:$0x7FF] =	sst s3;
	s30 =	ssub.s32 $0x2, s4;
	(pc) =	sbr.rel .LBB2_1-.Ltmp0, $4  }
0xb: {  	s4 =	sadd.s32 $0xF42C00, s1;
	s9 =	smul.u32 $0x6400, s6;
	s31 =	sshrl.u32 s30, $0x1  }
0xc: {  	_ =	strace $0x80000047;
	s6 =	smul.u32 $0x190000, s6;
	s1 =	ssub.s32 s30, s31  }
0xd: {  	s7 =	sshrl.u32 s9, $0x3;
	s8 =	sor.u32 $0x100, s9;
	s10 =	smax.u32 s1, $0x1  }
0xe: {  	s5 =	sadd.s32 s0, s7;
	s7 =	sor.u32 $0x80, s9;
	s9 =	sor.u32 $0x180, s9  }
.LBB2_12:
0xf: {  	_ =	swait.ge [sflag:s23], $0x2000  }
0x10: {  	[sflag:s23] =	ssyncset.done $0x0  }
0x11: {  	[sflag:s23] =	ssyncadd.s32 $0xFFFFE000  }
0x12: {  	_ =	swait.ge [sflag:s24], $0x2000  }
0x13: {  	[sflag:s24] =	ssyncset.done $0x0  }
0x14: {  	s28 =	sadd.s32 $0x1, s28;
	[sflag:s24] =	ssyncadd.s32 $0xFFFFE000  }
0x15: {  	p0 =	sne.s32 s28, s10;
	_ =	swait.ge [sflag:s25], $0x2000  }
.Ltmp1:
0x16: {  	[sflag:s25] =	ssyncset.done $0x0;
	(pc) =	sbr.rel @!p0 .LBB2_13-.Ltmp1, $4  }
0x17: {  	[sflag:s25] =	ssyncadd.s32 $0xFFFFE000  }
0x18: {  	_ =	swait.ge [sflag:s26], $0x2000  }
0x19: {  	[sflag:s26] =	ssyncset.done $0x0  }
0x1a: {  	[sflag:s26] =	ssyncadd.s32 $0xFFFFE000  }
.LBB2_1:
0x1b: {  	[tilespmem:s3], [sflag:$0x9] =	stream.linear.gather [hbm4b:s5+s3], $0x6400, $0x38;
	[tilespmem:$0xE400] =	vst v63  }
0x1c: {  	_ =	swait.ge [sflag:s11], $0x6400  }
0x1d: {  	[sflag:s11] =	ssyncset.done $0x0  }
0x1e: {  	[sflag:s11] =	ssyncadd.s32 $0xFFFF9C00  }
0x1f: {  	[tilespmem:s13], [sflag:$0x1] =	stream.indirect.gather [hbm4b:s4+s12], $0x40, s3, s12, $0xb8;
	[tilespmem:$0xE400] =	vst v63  }
0x20: {  	_ = 	snop  }
0x21: {  	[tilespmem:s14], [sflag:$0x2] =	stream.indirect.gather [hbm4b:s4+s12], $0x40, s12, s12, $0xb8;
	[tilespmem:$0xE400] =	vst v63  }
0x22: {  	s0 =	simm.s32 $0x100  }
0x23: {  	[tilespmem:s16], [sflag:$0x3] =	stream.indirect.gather [hbm4b:s4+s12], $0x40, s0, s12, $0xb8;
	[tilespmem:$0xE400] =	vst v63  }
0x24: {  	s31 =	simm.s32 $0x180;
	s29 =	simm.s32 $0x0  }
0x25: {  	[tilespmem:s18], [sflag:$0x4] =	stream.indirect.gather [hbm4b:s4+s12], $0x40, s31, s12, $0xb8;
	[tilespmem:$0xE400] =	vst v63  }
.LBB2_2:
0x26: {  	_ =	swait.ge [sflag:s19], $0x2000  }
0x27: {  	[sflag:s19] =	ssyncset.done $0x0  }
0x28: {  	s0 =	simm.s32 $0x0;
	[sflag:s19] =	ssyncadd.s32 $0xFFFFE000  }
0x29: {  	v0 =	vld [tilespmem:s0+$0x6400]  }
0x2a: {  	v2 =	vld [tilespmem:s0+$0x6410]  }
0x2b: {  	s1 =	simm.s32 $0x100;
	v1 =	vld [tilespmem:s0+$0x6420]  }
.LBB2_3:
0x2c: {  	p0 =	sne.s32 s1, $0x7F00;
	v3 =	vld [tilespmem:s0+$0x6430];
	_ =	sdelay $0x1  }
0x2d: {  	v0 =	vmul.f32 $8.000000000e+00, v0  }
.Ltmp2:
0x2e: {  	v2 =	vmul.f32 $8.000000000e+00, v2;
	(pc) =	sbr.rel @p0 .LBB2_3-.Ltmp2, $4  }
0x2f: {  	s15 =	sshra.s32 s1, $0x2;
	[tilespmem:s0+$0x6400] =	vst v0;
	v1 =	vmul.f32 $8.000000000e+00, v1  }
0x30: {  	v0 =	vld [tilespmem:s15+$0x6400];
	[tilespmem:s0+$0x6410] =	vst v2;
	v3 =	vmul.f32 $8.000000000e+00, v3  }
0x31: {  	v2 =	vld [tilespmem:s15+$0x6410];
	[tilespmem:s0+$0x6420] =	vst v1  }
0x32: {  	s1 =	sadd.s32 $0x100, s1;
	v1 =	vld [tilespmem:s15+$0x6420];
	[tilespmem:s0+$0x6430] =	vst v3;
	s0 =	smov.u32 s15  }
0x33: {  	v3 =	vld [tilespmem:s0+$0x6430];
	_ =	sdelay $0x1  }
0x34: {  	v0 =	vmul.f32 $8.000000000e+00, v0  }
0x35: {  	v2 =	vmul.f32 $8.000000000e+00, v2  }
0x36: {  	s1 =	sshll.u32 s29, $0xF;
	[tilespmem:s0+$0x6400] =	vst v0;
	v0 =	vmul.f32 $8.000000000e+00, v1  }
0x37: {  	s1 =	sadd.s32 s6, s1;
	[tilespmem:s0+$0x6410] =	vst v2;
	v1 =	vmul.f32 $8.000000000e+00, v3  }
0x38: {  	p0 =	seq.s32 s29, $0x31;
	s1 =	sshrl.u32 s1, $0x3;
	[tilespmem:s0+$0x6420] =	vst v0  }
0x39: {  	s17 =	sadd.s32 s2, s1;
	[tilespmem:s0+$0x6430] =	vst v1;
	s0 =	simm.s32 @!p0 $0x5  }
0x3a: {  	[hbm4b:s17+s3] =	stream.linear.scatter [tilespmem:s13], [sflag:$0x5], $0x2000, $0x38;
	[tilespmem:$0xE400] =	vst v63  }
0x3b: {  	s30 =	sshll.u32 s29, $0xB;
	_ =	swait.ge @!p0 [sflag:s0], $0x2000  }
0x3c: {  	s15 =	simm.s32 @!p0 $0x80;
	s1 =	sshrl.u32 @!p0 s30, $0x2;
	[sflag:s0] =	ssyncset.done @!p0 $0x0  }
0x3d: {  	s31 =	simm.s32 @!p0 $0x6400;
	[sflag:s0] =	ssyncadd.s32 @!p0 $0xFFFFE000;
	s0 =	sadd.s32 @!p0 $0x200, s1  }
0x3e: {  	[tilespmem:s31], [sflag:$0x1] =	stream.indirect.gather @!p0 [hbm4b:s4+s15], $0x40, s0, s15, $0xb8;
	[tilespmem:$0xE400] =	vst v63  }
0x3f: {  	_ =	swait.ge [sflag:s20], $0x2000  }
0x40: {  	[sflag:s20] =	ssyncset.done $0x0  }
0x41: {  	s0 =	simm.s32 $0x0;
	[sflag:s20] =	ssyncadd.s32 $0xFFFFE000  }
0x42: {  	v1 =	vld [tilespmem:s0+$0x8400]  }
0x43: {  	v2 =	vld [tilespmem:s0+$0x8410]  }
0x44: {  	s31 =	simm.s32 $0x100;
	v0 =	vld [tilespmem:s0+$0x8420]  }
.LBB2_5:
0x45: {  	p1 =	sne.s32 s31, $0x7F00;
	v3 =	vld [tilespmem:s0+$0x8430];
	_ =	sdelay $0x1  }
0x46: {  	v1 =	vmul.f32 $8.000000000e+00, v1  }
.Ltmp3:
0x47: {  	v2 =	vmul.f32 $8.000000000e+00, v2;
	(pc) =	sbr.rel @p1 .LBB2_5-.Ltmp3, $4  }
0x48: {  	s15 =	sshra.s32 s31, $0x2;
	[tilespmem:s0+$0x8400] =	vst v1;
	v0 =	vmul.f32 $8.000000000e+00, v0  }
0x49: {  	v1 =	vld [tilespmem:s15+$0x8400];
	[tilespmem:s0+$0x8410] =	vst v2;
	v3 =	vmul.f32 $8.000000000e+00, v3  }
0x4a: {  	v2 =	vld [tilespmem:s15+$0x8410];
	[tilespmem:s0+$0x8420] =	vst v0  }
0x4b: {  	s31 =	sadd.s32 $0x100, s31;
	v0 =	vld [tilespmem:s15+$0x8420];
	[tilespmem:s0+$0x8430] =	vst v3;
	s0 =	smov.u32 s15  }
0x4c: {  	v3 =	vld [tilespmem:s0+$0x8430];
	_ =	sdelay $0x1  }
0x4d: {  	v1 =	vmul.f32 $8.000000000e+00, v1  }
0x4e: {  	s31 =	sshll.u32 s29, $0x9;
	v2 =	vmul.f32 $8.000000000e+00, v2  }
0x4f: {  	s15 =	sadd.s32 s31, s7;
	[tilespmem:s0+$0x8400] =	vst v1;
	v0 =	vmul.f32 $8.000000000e+00, v0  }
0x50: {  	s15 =	sshll.u32 s15, $0x3;
	[tilespmem:s0+$0x8410] =	vst v2;
	v1 =	vmul.f32 $8.000000000e+00, v3  }
0x51: {  	s15 =	sand.u32 $0x1FFFF400, s15;
	[tilespmem:s0+$0x8420] =	vst v0  }
0x52: {  	s17 =	sadd.s32 s2, s15;
	[tilespmem:s0+$0x8430] =	vst v1;
	s0 =	simm.s32 @!p0 $0x6  }
0x53: {  	[hbm4b:s17+s3] =	stream.linear.scatter [tilespmem:s14], [sflag:$0x6], $0x2000, $0x38;
	[tilespmem:$0xE400] =	vst v63  }
0x54: {  	_ =	swait.ge @!p0 [sflag:s0], $0x2000  }
0x55: {  	s15 =	simm.s32 @!p0 $0x80;
	[sflag:s0] =	ssyncset.done @!p0 $0x0  }
0x56: {  	s17 =	simm.s32 @!p0 $0x8400;
	[sflag:s0] =	ssyncadd.s32 @!p0 $0xFFFFE000;
	s0 =	sadd.s32 @!p0 $0x280, s1  }
0x57: {  	[tilespmem:s17], [sflag:$0x2] =	stream.indirect.gather @!p0 [hbm4b:s4+s15], $0x40, s0, s15, $0xb8;
	[tilespmem:$0xE400] =	vst v63  }
0x58: {  	_ =	swait.ge [sflag:s21], $0x2000  }
0x59: {  	[sflag:s21] =	ssyncset.done $0x0  }
0x5a: {  	s0 =	simm.s32 $0x0;
	[sflag:s21] =	ssyncadd.s32 $0xFFFFE000  }
0x5b: {  	v0 =	vld [tilespmem:s0+$0xA400]  }
0x5c: {  	v2 =	vld [tilespmem:s0+$0xA410]  }
0x5d: {  	s15 =	simm.s32 $0x100;
	v1 =	vld [tilespmem:s0+$0xA420]  }
.LBB2_7:
0x5e: {  	p1 =	sne.s32 s15, $0x7F00;
	v3 =	vld [tilespmem:s0+$0xA430];
	_ =	sdelay $0x1  }
0x5f: {  	v0 =	vmul.f32 $8.000000000e+00, v0  }
.Ltmp4:
0x60: {  	v2 =	vmul.f32 $8.000000000e+00, v2;
	(pc) =	sbr.rel @p1 .LBB2_7-.Ltmp4, $4  }
0x61: {  	s17 =	sshra.s32 s15, $0x2;
	[tilespmem:s0+$0xA400] =	vst v0;
	v1 =	vmul.f32 $8.000000000e+00, v1  }
0x62: {  	v0 =	vld [tilespmem:s17+$0xA400];
	[tilespmem:s0+$0xA410] =	vst v2;
	v3 =	vmul.f32 $8.000000000e+00, v3  }
0x63: {  	v2 =	vld [tilespmem:s17+$0xA410];
	[tilespmem:s0+$0xA420] =	vst v1  }
0x64: {  	s15 =	sadd.s32 $0x100, s15;
	v1 =	vld [tilespmem:s17+$0xA420];
	[tilespmem:s0+$0xA430] =	vst v3;
	s0 =	smov.u32 s17  }
0x65: {  	v3 =	vld [tilespmem:s0+$0xA430];
	_ =	sdelay $0x1  }
0x66: {  	v0 =	vmul.f32 $8.000000000e+00, v0  }
0x67: {  	v2 =	vmul.f32 $8.000000000e+00, v2  }
0x68: {  	s15 =	sadd.s32 s31, s8;
	[tilespmem:s0+$0xA400] =	vst v0;
	v0 =	vmul.f32 $8.000000000e+00, v1  }
0x69: {  	s15 =	sshll.u32 s15, $0x3;
	[tilespmem:s0+$0xA410] =	vst v2;
	v1 =	vmul.f32 $8.000000000e+00, v3  }
0x6a: {  	s15 =	sand.u32 $0x1FFFF800, s15;
	[tilespmem:s0+$0xA420] =	vst v0  }
0x6b: {  	s17 =	sadd.s32 s2, s15;
	[tilespmem:s0+$0xA430] =	vst v1;
	s0 =	simm.s32 @!p0 $0x7  }
0x6c: {  	[hbm4b:s17+s3] =	stream.linear.scatter [tilespmem:s16], [sflag:$0x7], $0x2000, $0x38;
	[tilespmem:$0xE400] =	vst v63  }
0x6d: {  	_ =	swait.ge @!p0 [sflag:s0], $0x2000  }
0x6e: {  	s15 =	simm.s32 @!p0 $0xA400;
	[sflag:s0] =	ssyncset.done @!p0 $0x0  }
0x6f: {  	[sflag:s0] =	ssyncadd.s32 @!p0 $0xFFFFE000;
	s0 =	sadd.s32 @!p0 $0x300, s1;
	s1 =	simm.s32 @!p0 $0x80  }
0x70: {  	[tilespmem:s15], [sflag:$0x3] =	stream.indirect.gather @!p0 [hbm4b:s4+s1], $0x40, s0, s1, $0xb8;
	[tilespmem:$0xE400] =	vst v63  }
0x71: {  	_ =	swait.ge [sflag:s22], $0x2000  }
0x72: {  	[sflag:s22] =	ssyncset.done $0x0  }
0x73: {  	s0 =	simm.s32 $0x0;
	[sflag:s22] =	ssyncadd.s32 $0xFFFFE000  }
0x74: {  	v0 =	vld [tilespmem:s0+$0xC400]  }
0x75: {  	v2 =	vld [tilespmem:s0+$0xC410]  }
0x76: {  	s1 =	simm.s32 $0x100;
	v1 =	vld [tilespmem:s0+$0xC420]  }
.LBB2_9:
0x77: {  	p1 =	sne.s32 s1, $0x7F00;
	v3 =	vld [tilespmem:s0+$0xC430];
	_ =	sdelay $0x1  }
0x78: {  	v0 =	vmul.f32 $8.000000000e+00, v0  }
.Ltmp5:
0x79: {  	v2 =	vmul.f32 $8.000000000e+00, v2;
	(pc) =	sbr.rel @p1 .LBB2_9-.Ltmp5, $4  }
0x7a: {  	s15 =	sshra.s32 s1, $0x2;
	[tilespmem:s0+$0xC400] =	vst v0;
	v1 =	vmul.f32 $8.000000000e+00, v1  }
0x7b: {  	v0 =	vld [tilespmem:s15+$0xC400];
	[tilespmem:s0+$0xC410] =	vst v2;
	v3 =	vmul.f32 $8.000000000e+00, v3  }
0x7c: {  	v2 =	vld [tilespmem:s15+$0xC410];
	[tilespmem:s0+$0xC420] =	vst v1  }
0x7d: {  	s1 =	sadd.s32 $0x100, s1;
	v1 =	vld [tilespmem:s15+$0xC420];
	[tilespmem:s0+$0xC430] =	vst v3;
	s0 =	smov.u32 s15  }
0x7e: {  	v3 =	vld [tilespmem:s0+$0xC430];
	_ =	sdelay $0x1  }
0x7f: {  	v0 =	vmul.f32 $8.000000000e+00, v0  }
0x80: {  	v2 =	vmul.f32 $8.000000000e+00, v2  }
.Ltmp6:
0x81: {  	s1 =	sadd.s32 s31, s9;
	[tilespmem:s0+$0xC400] =	vst v0;
	v62 =	vmul.f32 $8.000000000e+00, v1;
	(pc) =	sbr.rel @p0 .LBB2_12-.Ltmp6, $4  }
0x82: {  	s1 =	sshll.u32 s1, $0x3;
	[tilespmem:s0+$0xC410] =	vst v2;
	v63 =	vmul.f32 $8.000000000e+00, v3  }
0x83: {  	s1 =	sand.u32 $0x1FFFFC00, s1;
	[tilespmem:s0+$0xC420] =	vst v62  }
0x84: {  	s31 =	sadd.s32 s2, s1;
	[tilespmem:s0+$0xC430] =	vst v63  }
0x85: {  	[hbm4b:s31+s3] =	stream.linear.scatter [tilespmem:s18], [sflag:$0x8], $0x2000, $0x38;
	[tilespmem:$0xE400] =	vst v63  }
.Ltmp7:
0x86: {  	(pc) =	sbr.rel .LBB2_2-.Ltmp7, $4  }
0x87: {  	_ =	swait.ge [sflag:s26], $0x2000  }
0x88: {  	s0 =	sshrl.u32 s30, $0x2;
	[sflag:s26] =	ssyncset.done $0x0  }
0x89: {  	s29 =	sadd.s32 $0x1, s29;
	s0 =	sadd.s32 $0x380, s0;
	[sflag:s26] =	ssyncadd.s32 $0xFFFFE000  }
0x8a: {  	[tilespmem:s18], [sflag:$0x4] =	stream.indirect.gather [hbm4b:s4+s12], $0x40, s0, s12, $0xb8;
	[tilespmem:$0xE400] =	vst v63  }
.LBB2_13:
0x8b: {  	_ =	sfence.sel $0x180000  }
0x8c: {  	[bflag:$0x0] =	sbarrier.arrive $0xFFFF  }
0x8d: {  	_ =	strace $0x90000047  }
0x8e: {  	s0 =	stileid.u32;
	[bflag:$0x2] =	sbarrier.arrive $0xFFFF  }
0x8f: {  	p0 =	sne.s32 s0, $0x0;
	s0 =	rddreg [dreg:$0x3]  }
0x90: {  	s0 =	sadd.s32 @!p0 $0x100000, s0  }
0x91: {  	[sflag:s0] =	ssyncadd.tile.s32 @!p0 $0x1;
	_ =	shalt  }
.Lfunc_end2:
_tile_overlayer_lowered:
.L_overlay_start_2:
0x92: {  	(tag) =	ssettag $0x2  }
0x93: {  	s0 =	rddreg [dreg:$0x0];
	s2 =	stileid.u32  }
0x94: {  	s1 =	rddreg [dreg:$0x1];
	p0 =	sne.s32 s2, $0x0  }
0x95: {  	s3 =	rddreg [dreg:$0x2];
	[bflag:$0x3] =	sbarrier.arrive $0xFFFF;
	s2 =	simm.s32 @!p0 $0x1C09  }
0x96: {  	[timem:s3], [sflag:s2] =	dma.local @!p0 [hbm:s0], s1  }
0x97: {  	s0 =	simm.s32 @!p0 $0x9  }
0x98: {  	_ =	swait.ge @!p0 [sflag:s0], s1  }
0x99: {  	s1 =	ssub.s32 @!p0 $0x0, s1;
	[sflag:s0] =	ssyncset.done @!p0 $0x0  }
0x9a: {  	[sflag:s0] =	ssyncadd.s32 @!p0 s1  }
0x9b: {  	[bflag:$0x3] =	sbarrier.arrive $0xFFFF  }
0x9c: {  	_ =	shalt  }

// kernel: sparse-core-data-format-call.cloned.1.call-start
scs
called_computation_lowered:
.L_overlay_start_0:
0x0: {  	s2 =	sld [smem:$0x3FD9]  }
0x1: {  	s3 =	sld [smem:$0x3FFE];
	_ =	sdelay $0x1  }
0x2: {  	s1 =	srdreg.scid  }
0x3: {  	s0 =	sand.u32 $0x1, s1  }
0x4: {  	s18 =	sshll.u32 s0, $0xA;
	s2 =	sadd.s32 s3, s2  }
0x5: {  	s2 =	sadd.s32 s2, s18  }
0x6: {  	[smem:$0x3FC6] =	sst s2  }
0x7: {  	_ = 	snop  }
0x8: {  	s2 =	sld [smem:$0x3FD0];
	(tm) =	ssettm $0x1  }
0x9: {  	s19 =	sld [smem:$0x3FFB];
	_ =	sdelay $0x3  }
0xa: {  	_ =	strace s19  }
0xb: {  	s3 =	sld [smem:$0x3FFC];
	_ =	sdelay $0x3  }
0xc: {  	_ =	strace s3  }
0xd: {  	s3 =	sld [smem:$0x3FFD];
	_ =	sdelay $0x3  }
0xe: {  	_ =	strace s3  }
0xf: {  	_ =	strace $0x8FFFFFFF  }
0x10: {  	s20 =	sld [smem:$0x3FDB];
	_ =	sdelay $0x1  }
0x11: {  	s4 =	simm.s32 $_scs_section_size  }
0x12: {  	s5 =	simm.s32 $_size__tile_overlayer_lowered;
	s6 =	simm.s32 $_tile_overlayer_lowered  }
0x13: {  	s23 =	simm.s32 $0x1BFF;
	s22 =	sshll.u32 s6, $0x1;
	s3 =	sadd.s32 s4, s20  }
0x14: {  	s7 =	simm.s32 $0x0;
	s21 =	sshll.u32 s5, $0x1;
	s5 =	sadd.s32 s22, s3  }
0x15: {  	[timem:s7], [sflag:s23] =	dma.local [hbm:s5], s21  }
0x16: {  	_ =	swait.ge [sflag:s23], s21  }
0x17: {  	s4 =	ssub.s32 $0x0, s21;
	[sflag:s23] =	ssyncset.done $0x0  }
0x18: {  	[sflag:s23] =	ssyncadd.s32 s4;
	_ =	sdelay $0x1  }
0x19: {  	s24 =	simm.s32 $0x1B8B  }
0x1a: {  	_ =	swait.ge [sflag:s24], $0x1  }
0x1b: {  	[sflag:s24] =	ssyncset.done $0x0  }
0x1c: {  	s26 =	simm.s32 $0x1B8E;
	s25 =	sld [smem:$0x3FFE];
	[sflag:s24] =	ssyncadd.s32 $0xFFFFFFFF  }
0x1d: {  	s27 =	simm.s32 $execute0_lowered;
	[smem:$0x3FD2] =	sst s26  }
0x1e: {  	s5 =	sshll.u32 s27, $0x1;
	_ =	strace $0x80000049;
	[dreg:$0x1] =	wrdreg $0xFFFFFFFF  }
0x1f: {  	s28 =	simm.s32 $_size_execute0_lowered;
	s3 =	sadd.s32 s3, s5;
	[dreg:$0x0] =	wrdreg $0x0  }
0x20: {  	s5 =	sshll.u32 s28, $0x1;
	[dreg:$0x2] =	wrdreg s3  }
0x21: {  	[dreg:$0x3] =	wrdreg s5  }
0x22: {  	[dreg:$0x4] =	wrdreg $0xC0  }
0x23: {  	_ =	task [dreg:s7], $0x5FFFF  }
0x24: {  	[dreg:$0x1] =	wrdreg $0xFFFFFFFF  }
0x25: {  	[dreg:$0x0] =	wrdreg $0x60  }
0x26: {  	[dreg:$0x2] =	wrdreg s25  }
0x27: {  	[dreg:$0x3] =	wrdreg s2  }
0x28: {  	[dreg:$0x4] =	wrdreg $0x9  }
0x29: {  	_ =	task.clear_ibuf [dreg:s7], $0x5FFFF;
	_ =	strace $0x90000049  }
0x2a: {  	s29 =	simm.s32 $0x9;
	_ =	strace $0x8000004B  }
0x2b: {  	_ =	swait.ge [sflag:s29], $0x1  }
0x2c: {  	[sflag:s29] =	ssyncadd.s32 $0xFFFFFFFF  }
0x2d: {  	_ =	strace $0x9000004B  }
0x2e: {  	_ =	sfence  }
0x2f: {  	s30 =	sld [smem:$0x0];
	_ =	sdelay $0x2  }
0x30: {  	s31 =	sshll.u32 s1, $0xD;
	s1 =	sshrl.u32 s1, $0x2  }
0x31: {  	s3 =	sand.u32 $0x4000, s31;
	s1 =	sadd.s32 s1, s30  }
0x32: {  	s0 =	sor.u32 s3, s0;
	s1 =	sshll.u32 s1, $0x11  }
0x33: {  	s0 =	sor.u32 s1, s0  }
0x34: {  	s0 =	sadd.s32 $0x8F2B, s0  }
0x35: {  	[sflag:s0] =	ssyncadd.remote.s32 $0x1  }
0x36: {  	_ =	sfence.sel $0xFFFF  }
0x37: {  	[dreg:$0x0] =	wrdreg $0xFFFFFFFF;
	(pc) =	sbr.abs _section_cstart, $3  }
0x38: {  	[dreg:$0x1] =	wrdreg $0xFFFFFFFF  }
0x39: {  	_ =	task.clear_ibuf [dreg:s7], $0x2FFFF;
	_ =	strace $0x9FFFFFFF  }
0x3a: {  	(tm) =	ssettm $0x7FFFFFFF  }
0x3b: {  	_ =	shalt  }
tec
execute0_lowered:
.L_overlay_start_1:
0x0: {  	(tag) =	ssettag $0x1  }
0x1: {  	s0 =	srdreg.scid  }
0x2: {  	s1 =	sshll.u32 s0, $0x4  }
0x3: {  	s4 =	rddreg [dreg:$0x0];
	s0 =	stileid.u32;
	s1 =	sand.u32 $0x10, s1  }
0x4: {  	s2 =	rddreg [dreg:$0x1];
	s7 =	simm.s32 $0x1;
	s1 =	sor.u32 s0, s1  }
0x5: {  	s8 =	simm.s32 $0x2;
	s11 =	simm.s32 $0x0;
	s3 =	sshll.u32 s1, $0x7  }
0x6: {  	s10 =	simm.s32 $0x0;
	s4 =	sadd.s32 $0x800, s4;
	s6 =	ssub.s32 $0xC8000, s3  }
.Ltmp0:
0x7: {  	s1 =	rddreg [dreg:$0x2];
	s5 =	sand.u32 $0xF80, s6;
	(pc) =	sbr.rel .LBB1_1-.Ltmp0, $4  }
0x8: {  	_ =	strace $0x8000004A;
	s9 =	smov.u32 s3;
	p0 =	sne.s32 s5, $0x0  }
0x9: {  	s6 =	sshrl.u32 s6, $0xC;
	s5 =	simm.s32 $0x1;
	s7 =	simm.s32 @!p0 $0x0  }
0xa: {  	[sflag:s5] =	ssyncpa.u1 $0x0;
	p0 =	por $0x0, $0x0;
	s6 =	sadd.s32 s7, s6  }
0xb: {  	[sflag:s8] =	ssyncpa.u1 $0x0;
	s8 =	simm.s32 $0x640000;
	s7 =	sadd.s32 $0x1, s6  }
.LBB1_4:
0xc: {  	s14 =	sshll.u32 s11, $0x3  }
0xd: {  	s30 =	sand.u32 $0x7F, s11;
	s15 =	sand.u32 $0xFFFFFC00, s14  }
0xe: {  	s11 =	sor.u32 s30, s15  }
0xf: {  	s15 =	smulhi.u32 $0x51EB851F, s11  }
0x10: {  	s14 =	smulhi.u32 $0x51EB851F, s14  }
0x11: {  	s15 =	sshrl.u32 s15, $0x12  }
0x12: {  	s14 =	sshrl.u32 s14, $0x12;
	s15 =	smul.u32 $0xC8000, s15  }
0x13: {  	s14 =	sand.u32 $0x3F, s14  }
0x14: {  	s14 =	smul.u32 $0x19000, s14;
	s11 =	ssub.s32 s11, s15  }
0x15: {  	[tilespmem:s13+$0x810 ss:$0x81] =	vst.msk $0xffff, v2;
	s15 =	sand.u32 $0x7, s11  }
0x16: {  	[tilespmem:s13+$0x1020 ss:$0x81] =	vst.msk $0xffff, v0;
	s14 =	sadd.s32 s2, s14;
	s11 =	sshrl.u32 s11, $0x3;
	s15 =	sshll.u32 s15, $0x12  }
0x17: {  	[tilespmem:s13+$0x0 ss:$0x81] =	vst.msk $0xffff, v1;
	s11 =	sadd.s32 s11, s14;
	s31 =	sor.u32 $0x400, s15  }
0x18: {  	[hbm4b:s11+s31] =	stream.strided.scatter [tilespmem:s12], [sflag:$0x2], $0x2000, s8, s31, $0x20;
	[tilespmem:$0x8080] =	vst v63  }
.LBB1_5:
0x19: {  	s13 =	sadd.s32 $0x1000, s9  }
0x1a: {  	p2 =	sgt.s32 s13, $0xC7FFF  }
0x1b: {  	s13 =	smov.u32 @p2 s3;
	p2 =	sne.s32 s10, s7  }
.Ltmp1:
0x1c: {  	p1 =	slt.u32 s10, $0x2;
	(pc) =	sbr.rel @!p2 .LBB1_6-.Ltmp1, $4  }
0x1d: {  	s12 =	simm.s32 @!p1 $0x2  }
0x1e: {  	s14 =	sadd.s32 $0x1, s10;
	_ =	swait.ge @!p1 [sflag:s12], $0x2000  }
0x1f: {  	s11 =	smov.u32 s9;
	p0 =	por !p0, !p0;
	[sflag:s12] =	ssyncset.done @!p1 $0x0  }
0x20: {  	s10 =	smov.u32 s14;
	s9 =	smov.u32 s13;
	[sflag:s12] =	ssyncadd.s32 @!p1 $0xFFFFE000  }
.LBB1_1:
0x21: {  	p1 =	sge.u32 s10, s6  }
0x22: {  	s12 =	sand.u32 @!p1 $0x1FFFFFF, s9  }
0x23: {  	s13 =	smulhi.u32 @!p1 $0x147AE15, s12;
	_ =	sdelay $0x1  }
0x24: {  	s13 =	sshrl.u32 @!p1 s13, $0xC  }
0x25: {  	s13 =	smul.u32 @!p1 $0xC8000, s13;
	_ =	sdelay $0x1  }
0x26: {  	s31 =	sadd.s32 $0xFFFFFFFF, s10;
	s14 =	sxor.u32 @!p1 $0xFFFFFFFF, s10;
	s12 =	ssub.s32 @!p1 s12, s13  }
0x27: {  	s15 =	simm.s32 @!p1 $0x80;
	s14 =	sshll.u32 @!p1 s14, $0xD;
	s12 =	sshll.u32 @!p1 s12, $0x4  }
0x28: {  	s13 =	sand.u32 @!p1 $0x2000, s14;
	s14 =	simm.s32 @!p1 $0x40;
	s12 =	sadd.s32 @!p1 s4, s12  }
0x29: {  	[tilespmem:s13], [sflag:$0x1] =	stream.strided.gather @!p1 [hbm4b:s12+s14], $0x2000, s15, s14, $0x38;
	[tilespmem:$0x8080] =	vst v63  }
0x2a: {  	p1 =	sge.u32 s31, s6  }
.Ltmp2:
0x2b: {  	_ = 	snop;
	(pc) =	sbr.rel @p1 .LBB1_5-.Ltmp2, $1  }
0x2c: {  	_ =	sdelay $0x3  }
0x2d: {  	s12 =	simm.s32 $0x1  }
0x2e: {  	_ =	swait.ge [sflag:s5], $0x2000;
	s12 =	simm.s32 @!p0 $0x0  }
0x2f: {  	[sflag:s5] =	ssyncset.done $0x0;
	s13 =	sshll.u32 s12, $0xD  }
0x30: {  	[sflag:s5] =	ssyncadd.s32 $0xFFFFE000;
	s16 =	sor.u32 $0x20, s13  }
0x31: {  	s12 =	smul.u32 $0x8100, s12;
	v3 =	vld [tilespmem:s16+$0x10]  }
0x32: {  	s30 =	sand.u32 $0x1, s10;
	v2 =	vld [tilespmem:s16+$0xFFFFFFF0]  }
0x33: {  	s13 =	smul.u32 $0x8100, s30;
	s12 =	sshrl.u32 s12, $0x2;
	v0 =	vld [tilespmem:s16+$0x0]  }
0x34: {  	v1 =	vld [tilespmem:s16+$0xFFFFFFE0];
	s14 =	sor.u32 $0x4000, s12  }
0x35: {  	s31 =	sshrl.u32 s13, $0x2;
	s13 =	sadd.s32 $0x0, s14  }
0x36: {  	s15 =	simm.s32 $0x4;
	s16 =	sadd.s32 $0x40, s16;
	s12 =	sor.u32 $0x4000, s31;
	[tilespmem:s13+$0x1830 ss:$0x81] =	vst.msk $0xffff, v3  }
.LBB1_3:
0x37: {  	v3 =	vld [tilespmem:s16+$0x10];
	p1 =	sne.s32 s15, $0x1FC;
	[tilespmem:s13+$0x810 ss:$0x81] =	vst.msk $0xffff, v2;
	s17 =	smov.u32 s15;
	s15 =	sadd.s32 $0x4, s15  }
.Ltmp3:
0x38: {  	v2 =	vld [tilespmem:s16+$0xFFFFFFF0];
	[tilespmem:s13+$0x1020 ss:$0x81] =	vst.msk $0xffff, v0;
	(pc) =	sbr.rel @p1 .LBB1_3-.Ltmp3, $4  }
0x39: {  	v0 =	vld [tilespmem:s16+$0x0];
	[tilespmem:s13+$0x0 ss:$0x81] =	vst.msk $0xffff, v1  }
0x3a: {  	s13 =	sshra.s32 s17, $0x2;
	v1 =	vld [tilespmem:s16+$0xFFFFFFE0]  }
0x3b: {  	s13 =	sadd.s32 s13, s14  }
0x3c: {  	s16 =	sadd.s32 $0x40, s16;
	[tilespmem:s13+$0x1830 ss:$0x81] =	vst.msk $0xffff, v3  }
.Ltmp4:
0x3d: {  	_ = 	snop;
	(pc) =	sbr.rel .LBB1_4-.Ltmp4, $1  }
0x3e: {  	_ =	sdelay $0x3  }
.LBB1_6:
0x3f: {  	_ =	sfence.sel $0x180000  }
0x40: {  	s2 =	simm.s32 $0x1;
	[bflag:$0x0] =	sbarrier.arrive $0xFFFF  }
0x41: {  	s31 =	simm.s32 $0x2;
	[sflag:s2] =	ssyncpa.u1 $0x1  }
0x42: {  	[sflag:s31] =	ssyncpa.u1 $0x1  }
0x43: {  	p0 =	sne.s32 s0, $0x0;
	_ =	strace $0x9000004A  }
0x44: {  	s0 =	sadd.s32 @!p0 $0x100000, s1;
	[bflag:$0x2] =	sbarrier.arrive $0xFFFF  }
0x45: {  	[sflag:s0] =	ssyncadd.tile.s32 @!p0 $0x1;
	_ =	shalt  }
.Lfunc_end1:
_tile_overlayer_lowered:
.L_overlay_start_2:
0x46: {  	(tag) =	ssettag $0x2  }
0x47: {  	s0 =	rddreg [dreg:$0x0];
	s2 =	stileid.u32  }
0x48: {  	s1 =	rddreg [dreg:$0x1];
	p0 =	sne.s32 s2, $0x0  }
0x49: {  	s3 =	rddreg [dreg:$0x2];
	[bflag:$0x3] =	sbarrier.arrive $0xFFFF;
	s2 =	simm.s32 @!p0 $0x1C01  }
0x4a: {  	[timem:s3], [sflag:s2] =	dma.local @!p0 [hbm:s0], s1  }
0x4b: {  	s0 =	simm.s32 @!p0 $0x1  }
0x4c: {  	_ =	swait.ge @!p0 [sflag:s0], s1  }
0x4d: {  	s1 =	ssub.s32 @!p0 $0x0, s1;
	[sflag:s0] =	ssyncset.done @!p0 $0x0  }
0x4e: {  	[sflag:s0] =	ssyncadd.s32 @!p0 s1  }
0x4f: {  	[bflag:$0x3] =	sbarrier.arrive $0xFFFF  }
0x50: {  	_ =	shalt  }

</sc_bundles>
